<compile_context>
chip_gen: v7x
topology: tpu7x:2x2x1
jax: 0.10.2.dev20260603
libtpu: 0.0.44.dev20260713+nightly
codegen_flags: <defaults>
</compile_context>

<pallas_src>
import functools

import jax
import jax.numpy as jnp
from jax import lax
from jax.experimental import pallas as pl
from jax.experimental.pallas import tpu as pltpu
from jax.experimental.pallas import tpu_sc as plsc

B = 1024
L = 200
D = 128
MAXLEN = 200
NC = 2
NS = 16
NW = NC * NS
ROWS_PER_W = B // NW
TOK_PER_W = ROWS_PER_W * L
TPAD = 208
CH = 128
NCHUNK = TOK_PER_W // CH


def _table_body(pos_ref, mod_ref, out_ref):
    pos = pos_ref[...]
    mod = mod_ref[...]
    pad = jnp.broadcast_to(jnp.zeros_like(mod), (TPAD - MAXLEN, D))
    out_ref[...] = jnp.concatenate([pos, pad], axis=0) + mod


def _build_table(pos200, mod2d):
    return pl.pallas_call(
        _table_body,
        out_shape=jax.ShapeDtypeStruct((TPAD, D), jnp.float32),
    )(pos200, mod2d)


def _sc_body(ids_hbm, mask_hbm, tok_tab, pos_tab, x_hbm, xe_hbm,
             ids_v, mask_v, pid_v, tbuf0, tbuf1, pbuf0, pbuf1,
             sgt0, sgp0, swt0, swp0, sgt1, sgp1, swt1, swp1):
    wid = lax.axis_index("s") * NC + lax.axis_index("c")
    tok0 = wid * TOK_PER_W

    pltpu.sync_copy(ids_hbm.at[pl.ds(tok0, TOK_PER_W)],
                    ids_v.at[pl.ds(0, TOK_PER_W)])
    pltpu.sync_copy(mask_hbm.at[pl.ds(tok0, TOK_PER_W)],
                    mask_v.at[pl.ds(0, TOK_PER_W)])

    lane = lax.iota(jnp.int32, 16)

    def pid_row(r, _):
        rb = r * L
        carry = jnp.int32(-1)
        for i in range(12):
            off = rb + i * 16
            m = mask_v[pl.ds(off, 16)]
            nm = jnp.where(m != 0, 0, 1)
            pid = plsc.cumsum(nm) + carry
            pid_v[pl.ds(off, 16)] = jnp.where(m != 0, MAXLEN, pid)
            carry = carry + jnp.sum(nm)
        off = rb + 192
        m = mask_v[pl.ds(off, 16)]
        nm = jnp.where(jnp.logical_and(lane < 8, m == 0), 1, 0)
        pid = plsc.cumsum(nm) + carry
        pid_v[pl.ds(off, 16)] = jnp.where(m != 0, MAXLEN, pid)
        return 0

    lax.fori_loop(0, ROWS_PER_W, pid_row, 0)

    slots = ((tbuf0, pbuf0, sgt0, sgp0, swt0, swp0),
             (tbuf1, pbuf1, sgt1, sgp1, swt1, swp1))

    def issue_gather(c, s):
        tb, pb, sgt, sgp, _, _ = slots[s]
        off = c * CH
        pltpu.async_copy(tok_tab.at[ids_v.at[pl.ds(off, CH)]], tb, sgt)
        pltpu.async_copy(pos_tab.at[pid_v.at[pl.ds(off, CH)]], pb, sgp)

    def wait_gather(s):
        tb, pb, sgt, sgp, _, _ = slots[s]
        pltpu.make_async_copy(tok_tab.at[pl.ds(0, CH)], tb, sgt).wait()
        pltpu.make_async_copy(tok_tab.at[pl.ds(0, CH)], pb, sgp).wait()

    def issue_writeout(c, s):
        tb, pb, _, _, swt, swp = slots[s]
        off = tok0 + c * CH
        pltpu.async_copy(tb, x_hbm.at[pl.ds(off, CH)], swt)
        pltpu.async_copy(pb, xe_hbm.at[pl.ds(off, CH)], swp)

    def wait_writeout(s):
        tb, pb, _, _, swt, swp = slots[s]
        pltpu.make_async_copy(tb, x_hbm.at[pl.ds(0, CH)], swt).wait()
        pltpu.make_async_copy(pb, xe_hbm.at[pl.ds(0, CH)], swp).wait()

    issue_gather(0, 0)
    issue_gather(1, 1)

    @pl.loop(0, NCHUNK // 2 - 1)
    def _pipe(i):
        c = i * 2
        wait_gather(0)
        issue_writeout(c, 0)
        wait_gather(1)
        issue_writeout(c + 1, 1)
        wait_writeout(0)
        issue_gather(c + 2, 0)
        wait_writeout(1)
        issue_gather(c + 3, 1)

    wait_gather(0)
    issue_writeout(NCHUNK - 2, 0)
    wait_gather(1)
    issue_writeout(NCHUNK - 1, 1)
    wait_writeout(0)
    wait_writeout(1)


_sc_gather = pl.kernel(
    _sc_body,
    out_type=(jax.ShapeDtypeStruct((B * L, D), jnp.float32),
              jax.ShapeDtypeStruct((B * L, D), jnp.float32)),
    mesh=plsc.VectorSubcoreMesh(core_axis_name="c", subcore_axis_name="s"),
    compiler_params=pltpu.CompilerParams(needs_layout_passes=False),
    scratch_types=[
        pltpu.VMEM((TOK_PER_W + 16,), jnp.int32),
        pltpu.VMEM((TOK_PER_W + 16,), jnp.int32),
        pltpu.VMEM((TOK_PER_W + 16,), jnp.int32),
        pltpu.VMEM((CH, D), jnp.float32),
        pltpu.VMEM((CH, D), jnp.float32),
        pltpu.VMEM((CH, D), jnp.float32),
        pltpu.VMEM((CH, D), jnp.float32),
    ] + [pltpu.SemaphoreType.DMA] * 8,
)


def kernel(tensor, target_mask, token_emb, mod_emb, pos_emb):
    ids = tensor.reshape(B * L)
    mask = target_mask.astype(jnp.int32).reshape(B * L)
    table = _build_table(pos_emb[0, :MAXLEN, :], mod_emb[0])
    x_flat, xe_flat = _sc_gather(ids, mask, token_emb, table)
    return (x_flat.reshape(B, L, D), xe_flat.reshape(B, L, D), tensor)

# --- scband reference (transcript-rebuilt; emitter-appended) ---
"""Pipeline reference for scband-sequence-decoder-embedding-41077067219387 (READ-ONLY COPY).

The authoritative reference and input builder live on the scoring server;
editing this copy changes nothing except your own understanding.
"""

import jax, jax.numpy as jnp
import numpy as np

VOCAB = 100000
MAX_LENGTH = 200
DIM = 128
MAX_SINCOS = 512
PADDING_IDX = 0
B = 1024
L = 200


def build_1d_sincos_posemb(max_len, embed_dim, temperature=10000.0):
    arange = jnp.arange(max_len, dtype=jnp.float32)
    pos_dim = embed_dim // 2
    omega = jnp.arange(pos_dim, dtype=jnp.float32) / pos_dim
    omega = 1.0 / (temperature ** omega)
    out = jnp.einsum('n,d->nd', arange, omega)
    pos_emb = jnp.concatenate([jnp.sin(out), jnp.cos(out)], axis=1)[None, :, :]
    return pos_emb


def setup_inputs(seed: int = 0) -> dict:
    key = jax.random.key(seed)
    k1, k2, k3, k4 = jax.random.split(key, 4)
    tensor = jax.random.randint(k1, (B, L), 0, VOCAB, dtype=jnp.int32)
    target_mask = jax.random.randint(k2, (B, L), 0, 2, dtype=jnp.int32) > 0
    token_emb = jax.random.normal(k3, (VOCAB, DIM), dtype=jnp.float32) * 0.02
    token_emb = token_emb.at[PADDING_IDX].set(0.0)  # padding_idx row zeroed like nn.Embedding
    mod_emb = jax.random.normal(k4, (1, 1, DIM), dtype=jnp.float32) * 0.02
    pos_emb = build_1d_sincos_posemb(MAX_SINCOS, DIM)  # buffer, shape (1, 512, DIM); torch [:max_length] slices dim0=1, no-op
    return {"tensor": tensor, "target_mask": target_mask, "token_emb": token_emb, "mod_emb": mod_emb, "pos_emb": pos_emb}


def reference(tensor, target_mask, token_emb, mod_emb, pos_emb):
    # x = self.token_emb(ids)
    x = jnp.take(token_emb, tensor, axis=0)
    # target_pos_id = (~target_mask).int().cumsum(dim=1) - 1
    target_pos_id = jnp.cumsum((~target_mask).astype(jnp.int32), axis=1) - 1
    # target_pos_id[target_mask] = 0
    target_pos_id = jnp.where(target_mask, 0, target_pos_id)
    # target_pos_id[target_pos_id >= max_length] = 0
    target_pos_id = jnp.where(target_pos_id >= MAX_LENGTH, 0, target_pos_id)
    # gather positional embeddings (expanded pos_emb is batch-repeated; index into position axis)
    target_pos_emb = jnp.take(pos_emb[0], target_pos_id, axis=0)  # (B, L, DIM)
    # target_pos_emb[target_mask] = 0
    target_pos_emb = jnp.where(target_mask[:, :, None], 0.0, target_pos_emb)
    x_emb = target_pos_emb + mod_emb
    return (x, x_emb, tensor)

if __name__ == "__main__":
    import jax
    _d = setup_inputs()
    print(jax.jit(kernel)(*tuple(_d.values())))

</pallas_src>

<mosaic_0001>
#map = affine_map<(d0, d1) -> (0)>
#map1 = affine_map<(d0, d1) -> (0, 0)>
module attributes {stable_mosaic.version = 14 : i64} {
  func.func @_sc_body(%arg0: i32, %arg1: i32, %arg2: memref<204800xi32, #tpu.memory_space<hbm>>, %arg3: memref<204800xi32, #tpu.memory_space<hbm>>, %arg4: memref<100000x128xf32, #tpu.memory_space<hbm>>, %arg5: memref<208x128xf32, #tpu.memory_space<hbm>>, %arg6: memref<204800x128xf32, #tpu.memory_space<hbm>>, %arg7: memref<204800x128xf32, #tpu.memory_space<hbm>>, %arg8: memref<6416xi32, #tpu.memory_space<vmem>>, %arg9: memref<6416xi32, #tpu.memory_space<vmem>>, %arg10: memref<6416xi32, #tpu.memory_space<vmem>>, %arg11: memref<128x128xf32, #tpu.memory_space<vmem>>, %arg12: memref<128x128xf32, #tpu.memory_space<vmem>>, %arg13: memref<128x128xf32, #tpu.memory_space<vmem>>, %arg14: memref<128x128xf32, #tpu.memory_space<vmem>>, %arg15: memref<!tpu.dma_semaphore, #tpu.memory_space<semaphore_mem>>, %arg16: memref<!tpu.dma_semaphore, #tpu.memory_space<semaphore_mem>>, %arg17: memref<!tpu.dma_semaphore, #tpu.memory_space<semaphore_mem>>, %arg18: memref<!tpu.dma_semaphore, #tpu.memory_space<semaphore_mem>>, %arg19: memref<!tpu.dma_semaphore, #tpu.memory_space<semaphore_mem>>, %arg20: memref<!tpu.dma_semaphore, #tpu.memory_space<semaphore_mem>>, %arg21: memref<!tpu.dma_semaphore, #tpu.memory_space<semaphore_mem>>, %arg22: memref<!tpu.dma_semaphore, #tpu.memory_space<semaphore_mem>>) attributes {dimension_semantics = [#tpu.dimension_semantics<core_parallel>, #tpu.dimension_semantics<subcore_parallel>], iteration_bounds = array<i64: 2, 16>, scalar_prefetch = 0 : i64, scratch_operands = 15 : i64, tpu.core_type = #tpu.core_type<sc_vector_subcore>, window_params = [{transform_indices = #map}, {transform_indices = #map}, {transform_indices = #map1}, {transform_indices = #map1}, {transform_indices = #map1}, {transform_indices = #map1}]} {
    %mul3A = arith.constant 2 : i32
    %mul3A_0 = arith.muli %arg1, %mul3A : i32
    %add3A = arith.addi %mul3A_0, %arg0 : i32
    %mul3A_1 = arith.constant 6400 : i32
    %mul3A_2 = arith.muli %add3A, %mul3A_1 : i32
    "tpu.region"() ({
      %run_scoped3A = tpu.sem_alloc : memref<!tpu.dma_semaphore, #tpu.memory_space<semaphore_mem>>
      %dma_start3A_100 = arith.constant 0 : i32
      %dma_start3A_101 = tpu.memref_slice %arg8[%dma_start3A_100] : memref<6416xi32, #tpu.memory_space<vmem>> -> memref<6400xi32, #tpu.memory_space<vmem>>
      %dma_start3A_102 = tpu.memref_slice %arg2[%mul3A_2] : memref<204800xi32, #tpu.memory_space<hbm>> -> memref<6400xi32, #tpu.memory_space<hbm>>
      %dma_start3A_103 = arith.constant 0 : i32
      %dma_start3A_104 = tpu.memref_slice %arg8[%dma_start3A_103] : memref<6416xi32, #tpu.memory_space<vmem>> -> memref<6400xi32, #tpu.memory_space<vmem>>
      %dma_start3A_105 = tpu.memref_slice %arg2[%mul3A_2] : memref<204800xi32, #tpu.memory_space<hbm>> -> memref<6400xi32, #tpu.memory_space<hbm>>
      tpu.enqueue_dma source(%dma_start3A_105 : memref<6400xi32, #tpu.memory_space<hbm>>) target(%dma_start3A_104 : memref<6400xi32, #tpu.memory_space<vmem>>) target_semaphore(%run_scoped3A : memref<!tpu.dma_semaphore, #tpu.memory_space<semaphore_mem>>)
      %dma_wait3A_106 = arith.constant 0 : i32
      %dma_wait3A_107 = tpu.memref_slice %arg8[%dma_wait3A_106] : memref<6416xi32, #tpu.memory_space<vmem>> -> memref<6400xi32, #tpu.memory_space<vmem>>
      %dma_wait3A_108 = tpu.memref_slice %arg2[%mul3A_2] : memref<204800xi32, #tpu.memory_space<hbm>> -> memref<6400xi32, #tpu.memory_space<hbm>>
      %dma_wait3A_109 = arith.constant 0 : i32
      %dma_wait3A_110 = tpu.memref_slice %arg8[%dma_wait3A_109] : memref<6416xi32, #tpu.memory_space<vmem>> -> memref<6400xi32, #tpu.memory_space<vmem>>
      %dma_wait3A_111 = tpu.memref_slice %arg2[%mul3A_2] : memref<204800xi32, #tpu.memory_space<hbm>> -> memref<6400xi32, #tpu.memory_space<hbm>>
      tpu.wait_dma2 semaphore(%run_scoped3A : memref<!tpu.dma_semaphore, #tpu.memory_space<semaphore_mem>>) src(%dma_wait3A_111 : memref<6400xi32, #tpu.memory_space<hbm>>) dst(%dma_wait3A_110 : memref<6400xi32, #tpu.memory_space<vmem>>)
      tpu.yield
    }) : () -> ()
    "tpu.region"() ({
      %run_scoped3A = tpu.sem_alloc : memref<!tpu.dma_semaphore, #tpu.memory_space<semaphore_mem>>
      %dma_start3A_100 = arith.constant 0 : i32
      %dma_start3A_101 = tpu.memref_slice %arg9[%dma_start3A_100] : memref<6416xi32, #tpu.memory_space<vmem>> -> memref<6400xi32, #tpu.memory_space<vmem>>
      %dma_start3A_102 = tpu.memref_slice %arg3[%mul3A_2] : memref<204800xi32, #tpu.memory_space<hbm>> -> memref<6400xi32, #tpu.memory_space<hbm>>
      %dma_start3A_103 = arith.constant 0 : i32
      %dma_start3A_104 = tpu.memref_slice %arg9[%dma_start3A_103] : memref<6416xi32, #tpu.memory_space<vmem>> -> memref<6400xi32, #tpu.memory_space<vmem>>
      %dma_start3A_105 = tpu.memref_slice %arg3[%mul3A_2] : memref<204800xi32, #tpu.memory_space<hbm>> -> memref<6400xi32, #tpu.memory_space<hbm>>
      tpu.enqueue_dma source(%dma_start3A_105 : memref<6400xi32, #tpu.memory_space<hbm>>) target(%dma_start3A_104 : memref<6400xi32, #tpu.memory_space<vmem>>) target_semaphore(%run_scoped3A : memref<!tpu.dma_semaphore, #tpu.memory_space<semaphore_mem>>)
      %dma_wait3A_106 = arith.constant 0 : i32
      %dma_wait3A_107 = tpu.memref_slice %arg9[%dma_wait3A_106] : memref<6416xi32, #tpu.memory_space<vmem>> -> memref<6400xi32, #tpu.memory_space<vmem>>
      %dma_wait3A_108 = tpu.memref_slice %arg3[%mul3A_2] : memref<204800xi32, #tpu.memory_space<hbm>> -> memref<6400xi32, #tpu.memory_space<hbm>>
      %dma_wait3A_109 = arith.constant 0 : i32
      %dma_wait3A_110 = tpu.memref_slice %arg9[%dma_wait3A_109] : memref<6416xi32, #tpu.memory_space<vmem>> -> memref<6400xi32, #tpu.memory_space<vmem>>
      %dma_wait3A_111 = tpu.memref_slice %arg3[%mul3A_2] : memref<204800xi32, #tpu.memory_space<hbm>> -> memref<6400xi32, #tpu.memory_space<hbm>>
      tpu.wait_dma2 semaphore(%run_scoped3A : memref<!tpu.dma_semaphore, #tpu.memory_space<semaphore_mem>>) src(%dma_wait3A_111 : memref<6400xi32, #tpu.memory_space<hbm>>) dst(%dma_wait3A_110 : memref<6400xi32, #tpu.memory_space<vmem>>)
      tpu.yield
    }) : () -> ()
    %iota3A = tpu.iota {dimensions = array<i32: 0>} : vector<16xi32>
    %scan3A = arith.constant 0 : i32
    %scan3A_3 = arith.constant 0 : i32
    %scan3A_4 = arith.constant 32 : i32
    %scan3A_5 = arith.addi %scan3A_3, %scan3A_4 : i32
    %scan3A_6 = arith.constant 1 : i32
    %scan3A_7 = scf.for %scan3A_100 = %scan3A_3 to %scan3A_5 step %scan3A_6 iter_args(%scan3A_101 = %scan3A) -> (i32)  : i32 {
      %mul3A_102 = arith.constant 200 : i32
      %mul3A_103 = arith.muli %scan3A_100, %mul3A_102 : i32
      %add3A_104 = arith.constant 0 : i32
      %add3A_105 = arith.addi %mul3A_103, %add3A_104 : i32
      %get3A = arith.index_cast %add3A_105 : i32 to index
      %get3A_106 = tpu.vector_load %arg9[%get3A] {strides = array<i32>} : memref<6416xi32, #tpu.memory_space<vmem>>, vector<16xi32>,
      %ne3A = arith.constant 0 : i32
      %ne3A_107 = vector.broadcast %ne3A : i32 to vector<16xi32>
      %ne3A_108 = arith.cmpi ne, %get3A_106, %ne3A_107 : vector<16xi32>
      %jit3A = arith.constant 0 : i32
      %jit3A_109 = arith.constant 1 : i32
      %broadcast_in_dim3A = vector.broadcast %jit3A : i32 to vector<16xi32>
      %broadcast_in_dim3A_110 = vector.broadcast %jit3A_109 : i32 to vector<16xi32>
      %select_n3A = arith.select %ne3A_108, %broadcast_in_dim3A, %broadcast_in_dim3A_110 : vector<16xi1>, vector<16xi32>
      %broadcast_in_dim3A_111 = arith.constant true
      %broadcast_in_dim3A_112 = vector.broadcast %broadcast_in_dim3A_111 : i1 to vector<16xi1>
      %masked_cumsum3A = tpu.scan <sum>, %select_n3A masked %broadcast_in_dim3A_112 : vector<16xi32>, vector<16xi1> -> vector<16xi32>
      %add3A_113 = arith.constant -1 : i32
      %add3A_114 = vector.broadcast %add3A_113 : i32 to vector<16xi32>
      %add3A_115 = arith.addi %masked_cumsum3A, %add3A_114 : vector<16xi32>
      %ne3A_116 = arith.constant 0 : i32
      %ne3A_117 = vector.broadcast %ne3A_116 : i32 to vector<16xi32>
      %ne3A_118 = arith.cmpi ne, %get3A_106, %ne3A_117 : vector<16xi32>
      %jit3A_119 = arith.constant 200 : i32
      %broadcast_in_dim3A_120 = vector.broadcast %jit3A_119 : i32 to vector<16xi32>
      %select_n3A_121 = arith.select %ne3A_118, %broadcast_in_dim3A_120, %add3A_115 : vector<16xi1>, vector<16xi32>
      %swap3A = arith.index_cast %add3A_105 : i32 to index
      %swap3A_122 = tpu.vector_load %arg10[%swap3A] {strides = array<i32>} : memref<6416xi32, #tpu.memory_space<vmem>>, vector<16xi32>,
      tpu.vector_store %arg10[%swap3A], %select_n3A_121 {strides = array<i32>} : memref<6416xi32, #tpu.memory_space<vmem>>, vector<16xi32>,
      %reduce_sum3A = arith.constant true
      %reduce_sum3A_123 = vector.broadcast %reduce_sum3A : i1 to vector<16xi1>
      %reduce_sum3A_124 = tpu.scan <sum>, %select_n3A masked %reduce_sum3A_123 : vector<16xi32>, vector<16xi1> -> vector<16xi32>
      %reduce_sum3A_125 = vector.extract %reduce_sum3A_124[15] : i32 from vector<16xi32>
      %add3A_126 = arith.constant -1 : i32
      %add3A_127 = arith.addi %add3A_126, %reduce_sum3A_125 : i32
      %add3A_128 = arith.constant 16 : i32
      %add3A_129 = arith.addi %mul3A_103, %add3A_128 : i32
      %get3A_130 = arith.index_cast %add3A_129 : i32 to index
      %get3A_131 = tpu.vector_load %arg9[%get3A_130] {strides = array<i32>} : memref<6416xi32, #tpu.memory_space<vmem>>, vector<16xi32>,
      %ne3A_132 = arith.constant 0 : i32
      %ne3A_133 = vector.broadcast %ne3A_132 : i32 to vector<16xi32>
      %ne3A_134 = arith.cmpi ne, %get3A_131, %ne3A_133 : vector<16xi32>
      %jit3A_135 = arith.constant 0 : i32
      %jit3A_136 = arith.constant 1 : i32
      %broadcast_in_dim3A_137 = vector.broadcast %jit3A_135 : i32 to vector<16xi32>
      %broadcast_in_dim3A_138 = vector.broadcast %jit3A_136 : i32 to vector<16xi32>
      %select_n3A_139 = arith.select %ne3A_134, %broadcast_in_dim3A_137, %broadcast_in_dim3A_138 : vector<16xi1>, vector<16xi32>
      %broadcast_in_dim3A_140 = arith.constant true
      %broadcast_in_dim3A_141 = vector.broadcast %broadcast_in_dim3A_140 : i1 to vector<16xi1>
      %masked_cumsum3A_142 = tpu.scan <sum>, %select_n3A_139 masked %broadcast_in_dim3A_141 : vector<16xi32>, vector<16xi1> -> vector<16xi32>
      %add3A_143 = vector.broadcast %add3A_127 : i32 to vector<16xi32>
      %add3A_144 = arith.addi %masked_cumsum3A_142, %add3A_143 : vector<16xi32>
      %ne3A_145 = arith.constant 0 : i32
      %ne3A_146 = vector.broadcast %ne3A_145 : i32 to vector<16xi32>
      %ne3A_147 = arith.cmpi ne, %get3A_131, %ne3A_146 : vector<16xi32>
      %jit3A_148 = arith.constant 200 : i32
      %broadcast_in_dim3A_149 = vector.broadcast %jit3A_148 : i32 to vector<16xi32>
      %select_n3A_150 = arith.select %ne3A_147, %broadcast_in_dim3A_149, %add3A_144 : vector<16xi1>, vector<16xi32>
      %swap3A_151 = arith.index_cast %add3A_129 : i32 to index
      %swap3A_152 = tpu.vector_load %arg10[%swap3A_151] {strides = array<i32>} : memref<6416xi32, #tpu.memory_space<vmem>>, vector<16xi32>,
      tpu.vector_store %arg10[%swap3A_151], %select_n3A_150 {strides = array<i32>} : memref<6416xi32, #tpu.memory_space<vmem>>, vector<16xi32>,
      %reduce_sum3A_153 = arith.constant true
      %reduce_sum3A_154 = vector.broadcast %reduce_sum3A_153 : i1 to vector<16xi1>
      %reduce_sum3A_155 = tpu.scan <sum>, %select_n3A_139 masked %reduce_sum3A_154 : vector<16xi32>, vector<16xi1> -> vector<16xi32>
      %reduce_sum3A_156 = vector.extract %reduce_sum3A_155[15] : i32 from vector<16xi32>
      %add3A_157 = arith.addi %add3A_127, %reduce_sum3A_156 : i32
      %add3A_158 = arith.constant 32 : i32
      %add3A_159 = arith.addi %mul3A_103, %add3A_158 : i32
      %get3A_160 = arith.index_cast %add3A_159 : i32 to index
      %get3A_161 = tpu.vector_load %arg9[%get3A_160] {strides = array<i32>} : memref<6416xi32, #tpu.memory_space<vmem>>, vector<16xi32>,
      %ne3A_162 = arith.constant 0 : i32
      %ne3A_163 = vector.broadcast %ne3A_162 : i32 to vector<16xi32>
      %ne3A_164 = arith.cmpi ne, %get3A_161, %ne3A_163 : vector<16xi32>
      %jit3A_165 = arith.constant 0 : i32
      %jit3A_166 = arith.constant 1 : i32
      %broadcast_in_dim3A_167 = vector.broadcast %jit3A_165 : i32 to vector<16xi32>
      %broadcast_in_dim3A_168 = vector.broadcast %jit3A_166 : i32 to vector<16xi32>
      %select_n3A_169 = arith.select %ne3A_164, %broadcast_in_dim3A_167, %broadcast_in_dim3A_168 : vector<16xi1>, vector<16xi32>
      %broadcast_in_dim3A_170 = arith.constant true
      %broadcast_in_dim3A_171 = vector.broadcast %broadcast_in_dim3A_170 : i1 to vector<16xi1>
      %masked_cumsum3A_172 = tpu.scan <sum>, %select_n3A_169 masked %broadcast_in_dim3A_171 : vector<16xi32>, vector<16xi1> -> vector<16xi32>
      %add3A_173 = vector.broadcast %add3A_157 : i32 to vector<16xi32>
      %add3A_174 = arith.addi %masked_cumsum3A_172, %add3A_173 : vector<16xi32>
      %ne3A_175 = arith.constant 0 : i32
      %ne3A_176 = vector.broadcast %ne3A_175 : i32 to vector<16xi32>
      %ne3A_177 = arith.cmpi ne, %get3A_161, %ne3A_176 : vector<16xi32>
      %jit3A_178 = arith.constant 200 : i32
      %broadcast_in_dim3A_179 = vector.broadcast %jit3A_178 : i32 to vector<16xi32>
      %select_n3A_180 = arith.select %ne3A_177, %broadcast_in_dim3A_179, %add3A_174 : vector<16xi1>, vector<16xi32>
      %swap3A_181 = arith.index_cast %add3A_159 : i32 to index
      %swap3A_182 = tpu.vector_load %arg10[%swap3A_181] {strides = array<i32>} : memref<6416xi32, #tpu.memory_space<vmem>>, vector<16xi32>,
      tpu.vector_store %arg10[%swap3A_181], %select_n3A_180 {strides = array<i32>} : memref<6416xi32, #tpu.memory_space<vmem>>, vector<16xi32>,
      %reduce_sum3A_183 = arith.constant true
      %reduce_sum3A_184 = vector.broadcast %reduce_sum3A_183 : i1 to vector<16xi1>
      %reduce_sum3A_185 = tpu.scan <sum>, %select_n3A_169 masked %reduce_sum3A_184 : vector<16xi32>, vector<16xi1> -> vector<16xi32>
      %reduce_sum3A_186 = vector.extract %reduce_sum3A_185[15] : i32 from vector<16xi32>
      %add3A_187 = arith.addi %add3A_157, %reduce_sum3A_186 : i32
      %add3A_188 = arith.constant 48 : i32
      %add3A_189 = arith.addi %mul3A_103, %add3A_188 : i32
      %get3A_190 = arith.index_cast %add3A_189 : i32 to index
      %get3A_191 = tpu.vector_load %arg9[%get3A_190] {strides = array<i32>} : memref<6416xi32, #tpu.memory_space<vmem>>, vector<16xi32>,
      %ne3A_192 = arith.constant 0 : i32
      %ne3A_193 = vector.broadcast %ne3A_192 : i32 to vector<16xi32>
      %ne3A_194 = arith.cmpi ne, %get3A_191, %ne3A_193 : vector<16xi32>
      %jit3A_195 = arith.constant 0 : i32
      %jit3A_196 = arith.constant 1 : i32
      %broadcast_in_dim3A_197 = vector.broadcast %jit3A_195 : i32 to vector<16xi32>
      %broadcast_in_dim3A_198 = vector.broadcast %jit3A_196 : i32 to vector<16xi32>
      %select_n3A_199 = arith.select %ne3A_194, %broadcast_in_dim3A_197, %broadcast_in_dim3A_198 : vector<16xi1>, vector<16xi32>
      %broadcast_in_dim3A_200 = arith.constant true
      %broadcast_in_dim3A_201 = vector.broadcast %broadcast_in_dim3A_200 : i1 to vector<16xi1>
      %masked_cumsum3A_202 = tpu.scan <sum>, %select_n3A_199 masked %broadcast_in_dim3A_201 : vector<16xi32>, vector<16xi1> -> vector<16xi32>
      %add3A_203 = vector.broadcast %add3A_187 : i32 to vector<16xi32>
      %add3A_204 = arith.addi %masked_cumsum3A_202, %add3A_203 : vector<16xi32>
      %ne3A_205 = arith.constant 0 : i32
      %ne3A_206 = vector.broadcast %ne3A_205 : i32 to vector<16xi32>
      %ne3A_207 = arith.cmpi ne, %get3A_191, %ne3A_206 : vector<16xi32>
      %jit3A_208 = arith.constant 200 : i32
      %broadcast_in_dim3A_209 = vector.broadcast %jit3A_208 : i32 to vector<16xi32>
      %select_n3A_210 = arith.select %ne3A_207, %broadcast_in_dim3A_209, %add3A_204 : vector<16xi1>, vector<16xi32>
      %swap3A_211 = arith.index_cast %add3A_189 : i32 to index
      %swap3A_212 = tpu.vector_load %arg10[%swap3A_211] {strides = array<i32>} : memref<6416xi32, #tpu.memory_space<vmem>>, vector<16xi32>,
      tpu.vector_store %arg10[%swap3A_211], %select_n3A_210 {strides = array<i32>} : memref<6416xi32, #tpu.memory_space<vmem>>, vector<16xi32>,
      %reduce_sum3A_213 = arith.constant true
      %reduce_sum3A_214 = vector.broadcast %reduce_sum3A_213 : i1 to vector<16xi1>
      %reduce_sum3A_215 = tpu.scan <sum>, %select_n3A_199 masked %reduce_sum3A_214 : vector<16xi32>, vector<16xi1> -> vector<16xi32>
      %reduce_sum3A_216 = vector.extract %reduce_sum3A_215[15] : i32 from vector<16xi32>
      %add3A_217 = arith.addi %add3A_187, %reduce_sum3A_216 : i32
      %add3A_218 = arith.constant 64 : i32
      %add3A_219 = arith.addi %mul3A_103, %add3A_218 : i32
      %get3A_220 = arith.index_cast %add3A_219 : i32 to index
      %get3A_221 = tpu.vector_load %arg9[%get3A_220] {strides = array<i32>} : memref<6416xi32, #tpu.memory_space<vmem>>, vector<16xi32>,
      %ne3A_222 = arith.constant 0 : i32
      %ne3A_223 = vector.broadcast %ne3A_222 : i32 to vector<16xi32>
      %ne3A_224 = arith.cmpi ne, %get3A_221, %ne3A_223 : vector<16xi32>
      %jit3A_225 = arith.constant 0 : i32
      %jit3A_226 = arith.constant 1 : i32
      %broadcast_in_dim3A_227 = vector.broadcast %jit3A_225 : i32 to vector<16xi32>
      %broadcast_in_dim3A_228 = vector.broadcast %jit3A_226 : i32 to vector<16xi32>
      %select_n3A_229 = arith.select %ne3A_224, %broadcast_in_dim3A_227, %broadcast_in_dim3A_228 : vector<16xi1>, vector<16xi32>
      %broadcast_in_dim3A_230 = arith.constant true
      %broadcast_in_dim3A_231 = vector.broadcast %broadcast_in_dim3A_230 : i1 to vector<16xi1>
      %masked_cumsum3A_232 = tpu.scan <sum>, %select_n3A_229 masked %broadcast_in_dim3A_231 : vector<16xi32>, vector<16xi1> -> vector<16xi32>
      %add3A_233 = vector.broadcast %add3A_217 : i32 to vector<16xi32>
      %add3A_234 = arith.addi %masked_cumsum3A_232, %add3A_233 : vector<16xi32>
      %ne3A_235 = arith.constant 0 : i32
      %ne3A_236 = vector.broadcast %ne3A_235 : i32 to vector<16xi32>
      %ne3A_237 = arith.cmpi ne, %get3A_221, %ne3A_236 : vector<16xi32>
      %jit3A_238 = arith.constant 200 : i32
      %broadcast_in_dim3A_239 = vector.broadcast %jit3A_238 : i32 to vector<16xi32>
      %select_n3A_240 = arith.select %ne3A_237, %broadcast_in_dim3A_239, %add3A_234 : vector<16xi1>, vector<16xi32>
      %swap3A_241 = arith.index_cast %add3A_219 : i32 to index
      %swap3A_242 = tpu.vector_load %arg10[%swap3A_241] {strides = array<i32>} : memref<6416xi32, #tpu.memory_space<vmem>>, vector<16xi32>,
      tpu.vector_store %arg10[%swap3A_241], %select_n3A_240 {strides = array<i32>} : memref<6416xi32, #tpu.memory_space<vmem>>, vector<16xi32>,
      %reduce_sum3A_243 = arith.constant true
      %reduce_sum3A_244 = vector.broadcast %reduce_sum3A_243 : i1 to vector<16xi1>
      %reduce_sum3A_245 = tpu.scan <sum>, %select_n3A_229 masked %reduce_sum3A_244 : vector<16xi32>, vector<16xi1> -> vector<16xi32>
      %reduce_sum3A_246 = vector.extract %reduce_sum3A_245[15] : i32 from vector<16xi32>
      %add3A_247 = arith.addi %add3A_217, %reduce_sum3A_246 : i32
      %add3A_248 = arith.constant 80 : i32
      %add3A_249 = arith.addi %mul3A_103, %add3A_248 : i32
      %get3A_250 = arith.index_cast %add3A_249 : i32 to index
      %get3A_251 = tpu.vector_load %arg9[%get3A_250] {strides = array<i32>} : memref<6416xi32, #tpu.memory_space<vmem>>, vector<16xi32>,
      %ne3A_252 = arith.constant 0 : i32
      %ne3A_253 = vector.broadcast %ne3A_252 : i32 to vector<16xi32>
      %ne3A_254 = arith.cmpi ne, %get3A_251, %ne3A_253 : vector<16xi32>
      %jit3A_255 = arith.constant 0 : i32
      %jit3A_256 = arith.constant 1 : i32
      %broadcast_in_dim3A_257 = vector.broadcast %jit3A_255 : i32 to vector<16xi32>
      %broadcast_in_dim3A_258 = vector.broadcast %jit3A_256 : i32 to vector<16xi32>
      %select_n3A_259 = arith.select %ne3A_254, %broadcast_in_dim3A_257, %broadcast_in_dim3A_258 : vector<16xi1>, vector<16xi32>
      %broadcast_in_dim3A_260 = arith.constant true
      %broadcast_in_dim3A_261 = vector.broadcast %broadcast_in_dim3A_260 : i1 to vector<16xi1>
      %masked_cumsum3A_262 = tpu.scan <sum>, %select_n3A_259 masked %broadcast_in_dim3A_261 : vector<16xi32>, vector<16xi1> -> vector<16xi32>
      %add3A_263 = vector.broadcast %add3A_247 : i32 to vector<16xi32>
      %add3A_264 = arith.addi %masked_cumsum3A_262, %add3A_263 : vector<16xi32>
      %ne3A_265 = arith.constant 0 : i32
      %ne3A_266 = vector.broadcast %ne3A_265 : i32 to vector<16xi32>
      %ne3A_267 = arith.cmpi ne, %get3A_251, %ne3A_266 : vector<16xi32>
      %jit3A_268 = arith.constant 200 : i32
      %broadcast_in_dim3A_269 = vector.broadcast %jit3A_268 : i32 to vector<16xi32>
      %select_n3A_270 = arith.select %ne3A_267, %broadcast_in_dim3A_269, %add3A_264 : vector<16xi1>, vector<16xi32>
      %swap3A_271 = arith.index_cast %add3A_249 : i32 to index
      %swap3A_272 = tpu.vector_load %arg10[%swap3A_271] {strides = array<i32>} : memref<6416xi32, #tpu.memory_space<vmem>>, vector<16xi32>,
      tpu.vector_store %arg10[%swap3A_271], %select_n3A_270 {strides = array<i32>} : memref<6416xi32, #tpu.memory_space<vmem>>, vector<16xi32>,
      %reduce_sum3A_273 = arith.constant true
      %reduce_sum3A_274 = vector.broadcast %reduce_sum3A_273 : i1 to vector<16xi1>
      %reduce_sum3A_275 = tpu.scan <sum>, %select_n3A_259 masked %reduce_sum3A_274 : vector<16xi32>, vector<16xi1> -> vector<16xi32>
      %reduce_sum3A_276 = vector.extract %reduce_sum3A_275[15] : i32 from vector<16xi32>
      %add3A_277 = arith.addi %add3A_247, %reduce_sum3A_276 : i32
      %add3A_278 = arith.constant 96 : i32
      %add3A_279 = arith.addi %mul3A_103, %add3A_278 : i32
      %get3A_280 = arith.index_cast %add3A_279 : i32 to index
      %get3A_281 = tpu.vector_load %arg9[%get3A_280] {strides = array<i32>} : memref<6416xi32, #tpu.memory_space<vmem>>, vector<16xi32>,
      %ne3A_282 = arith.constant 0 : i32
      %ne3A_283 = vector.broadcast %ne3A_282 : i32 to vector<16xi32>
      %ne3A_284 = arith.cmpi ne, %get3A_281, %ne3A_283 : vector<16xi32>
      %jit3A_285 = arith.constant 0 : i32
      %jit3A_286 = arith.constant 1 : i32
      %broadcast_in_dim3A_287 = vector.broadcast %jit3A_285 : i32 to vector<16xi32>
      %broadcast_in_dim3A_288 = vector.broadcast %jit3A_286 : i32 to vector<16xi32>
      %select_n3A_289 = arith.select %ne3A_284, %broadcast_in_dim3A_287, %broadcast_in_dim3A_288 : vector<16xi1>, vector<16xi32>
      %broadcast_in_dim3A_290 = arith.constant true
      %broadcast_in_dim3A_291 = vector.broadcast %broadcast_in_dim3A_290 : i1 to vector<16xi1>
      %masked_cumsum3A_292 = tpu.scan <sum>, %select_n3A_289 masked %broadcast_in_dim3A_291 : vector<16xi32>, vector<16xi1> -> vector<16xi32>
      %add3A_293 = vector.broadcast %add3A_277 : i32 to vector<16xi32>
      %add3A_294 = arith.addi %masked_cumsum3A_292, %add3A_293 : vector<16xi32>
      %ne3A_295 = arith.constant 0 : i32
      %ne3A_296 = vector.broadcast %ne3A_295 : i32 to vector<16xi32>
      %ne3A_297 = arith.cmpi ne, %get3A_281, %ne3A_296 : vector<16xi32>
      %jit3A_298 = arith.constant 200 : i32
      %broadcast_in_dim3A_299 = vector.broadcast %jit3A_298 : i32 to vector<16xi32>
      %select_n3A_300 = arith.select %ne3A_297, %broadcast_in_dim3A_299, %add3A_294 : vector<16xi1>, vector<16xi32>
      %swap3A_301 = arith.index_cast %add3A_279 : i32 to index
      %swap3A_302 = tpu.vector_load %arg10[%swap3A_301] {strides = array<i32>} : memref<6416xi32, #tpu.memory_space<vmem>>, vector<16xi32>,
      tpu.vector_store %arg10[%swap3A_301], %select_n3A_300 {strides = array<i32>} : memref<6416xi32, #tpu.memory_space<vmem>>, vector<16xi32>,
      %reduce_sum3A_303 = arith.constant true
      %reduce_sum3A_304 = vector.broadcast %reduce_sum3A_303 : i1 to vector<16xi1>
      %reduce_sum3A_305 = tpu.scan <sum>, %select_n3A_289 masked %reduce_sum3A_304 : vector<16xi32>, vector<16xi1> -> vector<16xi32>
      %reduce_sum3A_306 = vector.extract %reduce_sum3A_305[15] : i32 from vector<16xi32>
      %add3A_307 = arith.addi %add3A_277, %reduce_sum3A_306 : i32
      %add3A_308 = arith.constant 112 : i32
      %add3A_309 = arith.addi %mul3A_103, %add3A_308 : i32
      %get3A_310 = arith.index_cast %add3A_309 : i32 to index
      %get3A_311 = tpu.vector_load %arg9[%get3A_310] {strides = array<i32>} : memref<6416xi32, #tpu.memory_space<vmem>>, vector<16xi32>,
      %ne3A_312 = arith.constant 0 : i32
      %ne3A_313 = vector.broadcast %ne3A_312 : i32 to vector<16xi32>
      %ne3A_314 = arith.cmpi ne, %get3A_311, %ne3A_313 : vector<16xi32>
      %jit3A_315 = arith.constant 0 : i32
      %jit3A_316 = arith.constant 1 : i32
      %broadcast_in_dim3A_317 = vector.broadcast %jit3A_315 : i32 to vector<16xi32>
      %broadcast_in_dim3A_318 = vector.broadcast %jit3A_316 : i32 to vector<16xi32>
      %select_n3A_319 = arith.select %ne3A_314, %broadcast_in_dim3A_317, %broadcast_in_dim3A_318 : vector<16xi1>, vector<16xi32>
      %broadcast_in_dim3A_320 = arith.constant true
      %broadcast_in_dim3A_321 = vector.broadcast %broadcast_in_dim3A_320 : i1 to vector<16xi1>
      %masked_cumsum3A_322 = tpu.scan <sum>, %select_n3A_319 masked %broadcast_in_dim3A_321 : vector<16xi32>, vector<16xi1> -> vector<16xi32>
      %add3A_323 = vector.broadcast %add3A_307 : i32 to vector<16xi32>
      %add3A_324 = arith.addi %masked_cumsum3A_322, %add3A_323 : vector<16xi32>
      %ne3A_325 = arith.constant 0 : i32
      %ne3A_326 = vector.broadcast %ne3A_325 : i32 to vector<16xi32>
      %ne3A_327 = arith.cmpi ne, %get3A_311, %ne3A_326 : vector<16xi32>
      %jit3A_328 = arith.constant 200 : i32
      %broadcast_in_dim3A_329 = vector.broadcast %jit3A_328 : i32 to vector<16xi32>
      %select_n3A_330 = arith.select %ne3A_327, %broadcast_in_dim3A_329, %add3A_324 : vector<16xi1>, vector<16xi32>
      %swap3A_331 = arith.index_cast %add3A_309 : i32 to index
      %swap3A_332 = tpu.vector_load %arg10[%swap3A_331] {strides = array<i32>} : memref<6416xi32, #tpu.memory_space<vmem>>, vector<16xi32>,
      tpu.vector_store %arg10[%swap3A_331], %select_n3A_330 {strides = array<i32>} : memref<6416xi32, #tpu.memory_space<vmem>>, vector<16xi32>,
      %reduce_sum3A_333 = arith.constant true
      %reduce_sum3A_334 = vector.broadcast %reduce_sum3A_333 : i1 to vector<16xi1>
      %reduce_sum3A_335 = tpu.scan <sum>, %select_n3A_319 masked %reduce_sum3A_334 : vector<16xi32>, vector<16xi1> -> vector<16xi32>
      %reduce_sum3A_336 = vector.extract %reduce_sum3A_335[15] : i32 from vector<16xi32>
      %add3A_337 = arith.addi %add3A_307, %reduce_sum3A_336 : i32
      %add3A_338 = arith.constant 128 : i32
      %add3A_339 = arith.addi %mul3A_103, %add3A_338 : i32
      %get3A_340 = arith.index_cast %add3A_339 : i32 to index
      %get3A_341 = tpu.vector_load %arg9[%get3A_340] {strides = array<i32>} : memref<6416xi32, #tpu.memory_space<vmem>>, vector<16xi32>,
      %ne3A_342 = arith.constant 0 : i32
      %ne3A_343 = vector.broadcast %ne3A_342 : i32 to vector<16xi32>
      %ne3A_344 = arith.cmpi ne, %get3A_341, %ne3A_343 : vector<16xi32>
      %jit3A_345 = arith.constant 0 : i32
      %jit3A_346 = arith.constant 1 : i32
      %broadcast_in_dim3A_347 = vector.broadcast %jit3A_345 : i32 to vector<16xi32>
      %broadcast_in_dim3A_348 = vector.broadcast %jit3A_346 : i32 to vector<16xi32>
      %select_n3A_349 = arith.select %ne3A_344, %broadcast_in_dim3A_347, %broadcast_in_dim3A_348 : vector<16xi1>, vector<16xi32>
      %broadcast_in_dim3A_350 = arith.constant true
      %broadcast_in_dim3A_351 = vector.broadcast %broadcast_in_dim3A_350 : i1 to vector<16xi1>
      %masked_cumsum3A_352 = tpu.scan <sum>, %select_n3A_349 masked %broadcast_in_dim3A_351 : vector<16xi32>, vector<16xi1> -> vector<16xi32>
      %add3A_353 = vector.broadcast %add3A_337 : i32 to vector<16xi32>
      %add3A_354 = arith.addi %masked_cumsum3A_352, %add3A_353 : vector<16xi32>
      %ne3A_355 = arith.constant 0 : i32
      %ne3A_356 = vector.broadcast %ne3A_355 : i32 to vector<16xi32>
      %ne3A_357 = arith.cmpi ne, %get3A_341, %ne3A_356 : vector<16xi32>
      %jit3A_358 = arith.constant 200 : i32
      %broadcast_in_dim3A_359 = vector.broadcast %jit3A_358 : i32 to vector<16xi32>
      %select_n3A_360 = arith.select %ne3A_357, %broadcast_in_dim3A_359, %add3A_354 : vector<16xi1>, vector<16xi32>
      %swap3A_361 = arith.index_cast %add3A_339 : i32 to index
      %swap3A_362 = tpu.vector_load %arg10[%swap3A_361] {strides = array<i32>} : memref<6416xi32, #tpu.memory_space<vmem>>, vector<16xi32>,
      tpu.vector_store %arg10[%swap3A_361], %select_n3A_360 {strides = array<i32>} : memref<6416xi32, #tpu.memory_space<vmem>>, vector<16xi32>,
      %reduce_sum3A_363 = arith.constant true
      %reduce_sum3A_364 = vector.broadcast %reduce_sum3A_363 : i1 to vector<16xi1>
      %reduce_sum3A_365 = tpu.scan <sum>, %select_n3A_349 masked %reduce_sum3A_364 : vector<16xi32>, vector<16xi1> -> vector<16xi32>
      %reduce_sum3A_366 = vector.extract %reduce_sum3A_365[15] : i32 from vector<16xi32>
      %add3A_367 = arith.addi %add3A_337, %reduce_sum3A_366 : i32
      %add3A_368 = arith.constant 144 : i32
      %add3A_369 = arith.addi %mul3A_103, %add3A_368 : i32
      %get3A_370 = arith.index_cast %add3A_369 : i32 to index
      %get3A_371 = tpu.vector_load %arg9[%get3A_370] {strides = array<i32>} : memref<6416xi32, #tpu.memory_space<vmem>>, vector<16xi32>,
      %ne3A_372 = arith.constant 0 : i32
      %ne3A_373 = vector.broadcast %ne3A_372 : i32 to vector<16xi32>
      %ne3A_374 = arith.cmpi ne, %get3A_371, %ne3A_373 : vector<16xi32>
      %jit3A_375 = arith.constant 0 : i32
      %jit3A_376 = arith.constant 1 : i32
      %broadcast_in_dim3A_377 = vector.broadcast %jit3A_375 : i32 to vector<16xi32>
      %broadcast_in_dim3A_378 = vector.broadcast %jit3A_376 : i32 to vector<16xi32>
      %select_n3A_379 = arith.select %ne3A_374, %broadcast_in_dim3A_377, %broadcast_in_dim3A_378 : vector<16xi1>, vector<16xi32>
      %broadcast_in_dim3A_380 = arith.constant true
      %broadcast_in_dim3A_381 = vector.broadcast %broadcast_in_dim3A_380 : i1 to vector<16xi1>
      %masked_cumsum3A_382 = tpu.scan <sum>, %select_n3A_379 masked %broadcast_in_dim3A_381 : vector<16xi32>, vector<16xi1> -> vector<16xi32>
      %add3A_383 = vector.broadcast %add3A_367 : i32 to vector<16xi32>
      %add3A_384 = arith.addi %masked_cumsum3A_382, %add3A_383 : vector<16xi32>
      %ne3A_385 = arith.constant 0 : i32
      %ne3A_386 = vector.broadcast %ne3A_385 : i32 to vector<16xi32>
      %ne3A_387 = arith.cmpi ne, %get3A_371, %ne3A_386 : vector<16xi32>
      %jit3A_388 = arith.constant 200 : i32
      %broadcast_in_dim3A_389 = vector.broadcast %jit3A_388 : i32 to vector<16xi32>
      %select_n3A_390 = arith.select %ne3A_387, %broadcast_in_dim3A_389, %add3A_384 : vector<16xi1>, vector<16xi32>
      %swap3A_391 = arith.index_cast %add3A_369 : i32 to index
      %swap3A_392 = tpu.vector_load %arg10[%swap3A_391] {strides = array<i32>} : memref<6416xi32, #tpu.memory_space<vmem>>, vector<16xi32>,
      tpu.vector_store %arg10[%swap3A_391], %select_n3A_390 {strides = array<i32>} : memref<6416xi32, #tpu.memory_space<vmem>>, vector<16xi32>,
      %reduce_sum3A_393 = arith.constant true
      %reduce_sum3A_394 = vector.broadcast %reduce_sum3A_393 : i1 to vector<16xi1>
      %reduce_sum3A_395 = tpu.scan <sum>, %select_n3A_379 masked %reduce_sum3A_394 : vector<16xi32>, vector<16xi1> -> vector<16xi32>
      %reduce_sum3A_396 = vector.extract %reduce_sum3A_395[15] : i32 from vector<16xi32>
      %add3A_397 = arith.addi %add3A_367, %reduce_sum3A_396 : i32
      %add3A_398 = arith.constant 160 : i32
      %add3A_399 = arith.addi %mul3A_103, %add3A_398 : i32
      %get3A_400 = arith.index_cast %add3A_399 : i32 to index
      %get3A_401 = tpu.vector_load %arg9[%get3A_400] {strides = array<i32>} : memref<6416xi32, #tpu.memory_space<vmem>>, vector<16xi32>,
      %ne3A_402 = arith.constant 0 : i32
      %ne3A_403 = vector.broadcast %ne3A_402 : i32 to vector<16xi32>
      %ne3A_404 = arith.cmpi ne, %get3A_401, %ne3A_403 : vector<16xi32>
      %jit3A_405 = arith.constant 0 : i32
      %jit3A_406 = arith.constant 1 : i32
      %broadcast_in_dim3A_407 = vector.broadcast %jit3A_405 : i32 to vector<16xi32>
      %broadcast_in_dim3A_408 = vector.broadcast %jit3A_406 : i32 to vector<16xi32>
      %select_n3A_409 = arith.select %ne3A_404, %broadcast_in_dim3A_407, %broadcast_in_dim3A_408 : vector<16xi1>, vector<16xi32>
      %broadcast_in_dim3A_410 = arith.constant true
      %broadcast_in_dim3A_411 = vector.broadcast %broadcast_in_dim3A_410 : i1 to vector<16xi1>
      %masked_cumsum3A_412 = tpu.scan <sum>, %select_n3A_409 masked %broadcast_in_dim3A_411 : vector<16xi32>, vector<16xi1> -> vector<16xi32>
      %add3A_413 = vector.broadcast %add3A_397 : i32 to vector<16xi32>
      %add3A_414 = arith.addi %masked_cumsum3A_412, %add3A_413 : vector<16xi32>
      %ne3A_415 = arith.constant 0 : i32
      %ne3A_416 = vector.broadcast %ne3A_415 : i32 to vector<16xi32>
      %ne3A_417 = arith.cmpi ne, %get3A_401, %ne3A_416 : vector<16xi32>
      %jit3A_418 = arith.constant 200 : i32
      %broadcast_in_dim3A_419 = vector.broadcast %jit3A_418 : i32 to vector<16xi32>
      %select_n3A_420 = arith.select %ne3A_417, %broadcast_in_dim3A_419, %add3A_414 : vector<16xi1>, vector<16xi32>
      %swap3A_421 = arith.index_cast %add3A_399 : i32 to index
      %swap3A_422 = tpu.vector_load %arg10[%swap3A_421] {strides = array<i32>} : memref<6416xi32, #tpu.memory_space<vmem>>, vector<16xi32>,
      tpu.vector_store %arg10[%swap3A_421], %select_n3A_420 {strides = array<i32>} : memref<6416xi32, #tpu.memory_space<vmem>>, vector<16xi32>,
      %reduce_sum3A_423 = arith.constant true
      %reduce_sum3A_424 = vector.broadcast %reduce_sum3A_423 : i1 to vector<16xi1>
      %reduce_sum3A_425 = tpu.scan <sum>, %select_n3A_409 masked %reduce_sum3A_424 : vector<16xi32>, vector<16xi1> -> vector<16xi32>
      %reduce_sum3A_426 = vector.extract %reduce_sum3A_425[15] : i32 from vector<16xi32>
      %add3A_427 = arith.addi %add3A_397, %reduce_sum3A_426 : i32
      %add3A_428 = arith.constant 176 : i32
      %add3A_429 = arith.addi %mul3A_103, %add3A_428 : i32
      %get3A_430 = arith.index_cast %add3A_429 : i32 to index
      %get3A_431 = tpu.vector_load %arg9[%get3A_430] {strides = array<i32>} : memref<6416xi32, #tpu.memory_space<vmem>>, vector<16xi32>,
      %ne3A_432 = arith.constant 0 : i32
      %ne3A_433 = vector.broadcast %ne3A_432 : i32 to vector<16xi32>
      %ne3A_434 = arith.cmpi ne, %get3A_431, %ne3A_433 : vector<16xi32>
      %jit3A_435 = arith.constant 0 : i32
      %jit3A_436 = arith.constant 1 : i32
      %broadcast_in_dim3A_437 = vector.broadcast %jit3A_435 : i32 to vector<16xi32>
      %broadcast_in_dim3A_438 = vector.broadcast %jit3A_436 : i32 to vector<16xi32>
      %select_n3A_439 = arith.select %ne3A_434, %broadcast_in_dim3A_437, %broadcast_in_dim3A_438 : vector<16xi1>, vector<16xi32>
      %broadcast_in_dim3A_440 = arith.constant true
      %broadcast_in_dim3A_441 = vector.broadcast %broadcast_in_dim3A_440 : i1 to vector<16xi1>
      %masked_cumsum3A_442 = tpu.scan <sum>, %select_n3A_439 masked %broadcast_in_dim3A_441 : vector<16xi32>, vector<16xi1> -> vector<16xi32>
      %add3A_443 = vector.broadcast %add3A_427 : i32 to vector<16xi32>
      %add3A_444 = arith.addi %masked_cumsum3A_442, %add3A_443 : vector<16xi32>
      %ne3A_445 = arith.constant 0 : i32
      %ne3A_446 = vector.broadcast %ne3A_445 : i32 to vector<16xi32>
      %ne3A_447 = arith.cmpi ne, %get3A_431, %ne3A_446 : vector<16xi32>
      %jit3A_448 = arith.constant 200 : i32
      %broadcast_in_dim3A_449 = vector.broadcast %jit3A_448 : i32 to vector<16xi32>
      %select_n3A_450 = arith.select %ne3A_447, %broadcast_in_dim3A_449, %add3A_444 : vector<16xi1>, vector<16xi32>
      %swap3A_451 = arith.index_cast %add3A_429 : i32 to index
      %swap3A_452 = tpu.vector_load %arg10[%swap3A_451] {strides = array<i32>} : memref<6416xi32, #tpu.memory_space<vmem>>, vector<16xi32>,
      tpu.vector_store %arg10[%swap3A_451], %select_n3A_450 {strides = array<i32>} : memref<6416xi32, #tpu.memory_space<vmem>>, vector<16xi32>,
      %reduce_sum3A_453 = arith.constant true
      %reduce_sum3A_454 = vector.broadcast %reduce_sum3A_453 : i1 to vector<16xi1>
      %reduce_sum3A_455 = tpu.scan <sum>, %select_n3A_439 masked %reduce_sum3A_454 : vector<16xi32>, vector<16xi1> -> vector<16xi32>
      %reduce_sum3A_456 = vector.extract %reduce_sum3A_455[15] : i32 from vector<16xi32>
      %add3A_457 = arith.addi %add3A_427, %reduce_sum3A_456 : i32
      %add3A_458 = arith.constant 192 : i32
      %add3A_459 = arith.addi %mul3A_103, %add3A_458 : i32
      %get3A_460 = arith.index_cast %add3A_459 : i32 to index
      %get3A_461 = tpu.vector_load %arg9[%get3A_460] {strides = array<i32>} : memref<6416xi32, #tpu.memory_space<vmem>>, vector<16xi32>,
      %lt3A = arith.constant 8 : i32
      %lt3A_462 = vector.broadcast %lt3A : i32 to vector<16xi32>
      %lt3A_463 = arith.cmpi slt, %iota3A, %lt3A_462 : vector<16xi32>
      %eq3A = arith.constant 0 : i32
      %eq3A_464 = vector.broadcast %eq3A : i32 to vector<16xi32>
      %eq3A_465 = arith.cmpi eq, %get3A_461, %eq3A_464 : vector<16xi32>
      %and3A = arith.andi %lt3A_463, %eq3A_465 : vector<16xi1>
      %jit3A_466 = arith.constant 1 : i32
      %jit3A_467 = arith.constant 0 : i32
      %broadcast_in_dim3A_468 = vector.broadcast %jit3A_466 : i32 to vector<16xi32>
      %broadcast_in_dim3A_469 = vector.broadcast %jit3A_467 : i32 to vector<16xi32>
      %select_n3A_470 = arith.select %and3A, %broadcast_in_dim3A_468, %broadcast_in_dim3A_469 : vector<16xi1>, vector<16xi32>
      %broadcast_in_dim3A_471 = arith.constant true
      %broadcast_in_dim3A_472 = vector.broadcast %broadcast_in_dim3A_471 : i1 to vector<16xi1>
      %masked_cumsum3A_473 = tpu.scan <sum>, %select_n3A_470 masked %broadcast_in_dim3A_472 : vector<16xi32>, vector<16xi1> -> vector<16xi32>
      %add3A_474 = vector.broadcast %add3A_457 : i32 to vector<16xi32>
      %add3A_475 = arith.addi %masked_cumsum3A_473, %add3A_474 : vector<16xi32>
      %ne3A_476 = arith.constant 0 : i32
      %ne3A_477 = vector.broadcast %ne3A_476 : i32 to vector<16xi32>
      %ne3A_478 = arith.cmpi ne, %get3A_461, %ne3A_477 : vector<16xi32>
      %jit3A_479 = arith.constant 200 : i32
      %broadcast_in_dim3A_480 = vector.broadcast %jit3A_479 : i32 to vector<16xi32>
      %select_n3A_481 = arith.select %ne3A_478, %broadcast_in_dim3A_480, %add3A_475 : vector<16xi1>, vector<16xi32>
      %swap3A_482 = arith.index_cast %add3A_459 : i32 to index
      %swap3A_483 = tpu.vector_load %arg10[%swap3A_482] {strides = array<i32>} : memref<6416xi32, #tpu.memory_space<vmem>>, vector<16xi32>,
      tpu.vector_store %arg10[%swap3A_482], %select_n3A_481 {strides = array<i32>} : memref<6416xi32, #tpu.memory_space<vmem>>, vector<16xi32>,
      %scan3A_484 = arith.constant 0 : i32
      scf.yield %scan3A_484 : i32
    }
    %scan3A_8 = arith.constant 32 : i32
    %dma_start3A = arith.constant 0 : i32
    %dma_start3A_9 = tpu.memref_slice %arg8[%dma_start3A] : memref<6416xi32, #tpu.memory_space<vmem>> -> memref<128xi32, #tpu.memory_space<vmem>>
    %dma_start3A_10 = arith.constant 0 : i32
    %dma_start3A_11 = arith.constant 0 : i32
    %dma_start3A_12 = tpu.memref_slice %arg4[%dma_start3A_10, %dma_start3A_11] : memref<100000x128xf32, #tpu.memory_space<hbm>> -> memref<100000x128xf32, #tpu.memory_space<hbm>>
    tpu.enqueue_indirect_dma source(%dma_start3A_12 : memref<100000x128xf32, #tpu.memory_space<hbm>>) target(%arg11 : memref<128x128xf32, #tpu.memory_space<vmem>>) offsets(%dma_start3A_9 : memref<128xi32, #tpu.memory_space<vmem>>) semaphore(%arg15 : memref<!tpu.dma_semaphore, #tpu.memory_space<semaphore_mem>>)
    %dma_start3A_13 = arith.constant 0 : i32
    %dma_start3A_14 = tpu.memref_slice %arg10[%dma_start3A_13] : memref<6416xi32, #tpu.memory_space<vmem>> -> memref<128xi32, #tpu.memory_space<vmem>>
    %dma_start3A_15 = arith.constant 0 : i32
    %dma_start3A_16 = arith.constant 0 : i32
    %dma_start3A_17 = tpu.memref_slice %arg5[%dma_start3A_15, %dma_start3A_16] : memref<208x128xf32, #tpu.memory_space<hbm>> -> memref<208x128xf32, #tpu.memory_space<hbm>>
    tpu.enqueue_indirect_dma source(%dma_start3A_17 : memref<208x128xf32, #tpu.memory_space<hbm>>) target(%arg13 : memref<128x128xf32, #tpu.memory_space<vmem>>) offsets(%dma_start3A_14 : memref<128xi32, #tpu.memory_space<vmem>>) semaphore(%arg16 : memref<!tpu.dma_semaphore, #tpu.memory_space<semaphore_mem>>)
    %dma_start3A_18 = arith.constant 128 : i32
    %dma_start3A_19 = tpu.memref_slice %arg8[%dma_start3A_18] : memref<6416xi32, #tpu.memory_space<vmem>> -> memref<128xi32, #tpu.memory_space<vmem>>
    %dma_start3A_20 = arith.constant 0 : i32
    %dma_start3A_21 = arith.constant 0 : i32
    %dma_start3A_22 = tpu.memref_slice %arg4[%dma_start3A_20, %dma_start3A_21] : memref<100000x128xf32, #tpu.memory_space<hbm>> -> memref<100000x128xf32, #tpu.memory_space<hbm>>
    tpu.enqueue_indirect_dma source(%dma_start3A_22 : memref<100000x128xf32, #tpu.memory_space<hbm>>) target(%arg12 : memref<128x128xf32, #tpu.memory_space<vmem>>) offsets(%dma_start3A_19 : memref<128xi32, #tpu.memory_space<vmem>>) semaphore(%arg19 : memref<!tpu.dma_semaphore, #tpu.memory_space<semaphore_mem>>)
    %dma_start3A_23 = arith.constant 128 : i32
    %dma_start3A_24 = tpu.memref_slice %arg10[%dma_start3A_23] : memref<6416xi32, #tpu.memory_space<vmem>> -> memref<128xi32, #tpu.memory_space<vmem>>
    %dma_start3A_25 = arith.constant 0 : i32
    %dma_start3A_26 = arith.constant 0 : i32
    %dma_start3A_27 = tpu.memref_slice %arg5[%dma_start3A_25, %dma_start3A_26] : memref<208x128xf32, #tpu.memory_space<hbm>> -> memref<208x128xf32, #tpu.memory_space<hbm>>
    tpu.enqueue_indirect_dma source(%dma_start3A_27 : memref<208x128xf32, #tpu.memory_space<hbm>>) target(%arg14 : memref<128x128xf32, #tpu.memory_space<vmem>>) offsets(%dma_start3A_24 : memref<128xi32, #tpu.memory_space<vmem>>) semaphore(%arg20 : memref<!tpu.dma_semaphore, #tpu.memory_space<semaphore_mem>>)
    %scan3A_28 = arith.constant 0 : i32
    %scan3A_29 = arith.constant 24 : i32
    %scan3A_30 = arith.addi %scan3A_28, %scan3A_29 : i32
    %scan3A_31 = arith.constant 1 : i32
    scf.for %scan3A_100 = %scan3A_28 to %scan3A_30 step %scan3A_31  : i32 {
      %mul3A_101 = arith.constant 1 : i32
      %mul3A_102 = arith.muli %scan3A_100, %mul3A_101 : i32
      %add3A_103 = arith.constant 0 : i32
      %add3A_104 = arith.addi %add3A_103, %mul3A_102 : i32
      %mul3A_105 = arith.constant 2 : i32
      %mul3A_106 = arith.muli %add3A_104, %mul3A_105 : i32
      %dma_wait3A_107 = arith.constant 0 : i32
      %dma_wait3A_108 = arith.constant 0 : i32
      %dma_wait3A_109 = tpu.memref_slice %arg4[%dma_wait3A_107, %dma_wait3A_108] : memref<100000x128xf32, #tpu.memory_space<hbm>> -> memref<128x128xf32, #tpu.memory_space<hbm>>
      %dma_wait3A_110 = arith.constant 0 : i32
      %dma_wait3A_111 = arith.constant 0 : i32
      %dma_wait3A_112 = tpu.memref_slice %arg4[%dma_wait3A_110, %dma_wait3A_111] : memref<100000x128xf32, #tpu.memory_space<hbm>> -> memref<128x128xf32, #tpu.memory_space<hbm>>
      tpu.wait_dma2 semaphore(%arg15 : memref<!tpu.dma_semaphore, #tpu.memory_space<semaphore_mem>>) src(%dma_wait3A_112 : memref<128x128xf32, #tpu.memory_space<hbm>>) dst(%arg11 : memref<128x128xf32, #tpu.memory_space<vmem>>)
      %dma_wait3A_113 = arith.constant 0 : i32
      %dma_wait3A_114 = arith.constant 0 : i32
      %dma_wait3A_115 = tpu.memref_slice %arg4[%dma_wait3A_113, %dma_wait3A_114] : memref<100000x128xf32, #tpu.memory_space<hbm>> -> memref<128x128xf32, #tpu.memory_space<hbm>>
      %dma_wait3A_116 = arith.constant 0 : i32
      %dma_wait3A_117 = arith.constant 0 : i32
      %dma_wait3A_118 = tpu.memref_slice %arg4[%dma_wait3A_116, %dma_wait3A_117] : memref<100000x128xf32, #tpu.memory_space<hbm>> -> memref<128x128xf32, #tpu.memory_space<hbm>>
      tpu.wait_dma2 semaphore(%arg16 : memref<!tpu.dma_semaphore, #tpu.memory_space<semaphore_mem>>) src(%dma_wait3A_118 : memref<128x128xf32, #tpu.memory_space<hbm>>) dst(%arg13 : memref<128x128xf32, #tpu.memory_space<vmem>>)
      %mul3A_119 = arith.constant 128 : i32
      %mul3A_120 = arith.muli %mul3A_106, %mul3A_119 : i32
      %add3A_121 = arith.addi %mul3A_2, %mul3A_120 : i32
      %dma_start3A_122 = arith.constant 0 : i32
      %dma_start3A_123 = tpu.memref_slice %arg6[%add3A_121, %dma_start3A_122] : memref<204800x128xf32, #tpu.memory_space<hbm>> -> memref<128x128xf32, #tpu.memory_space<hbm>>
      %dma_start3A_124 = arith.constant 0 : i32
      %dma_start3A_125 = tpu.memref_slice %arg6[%add3A_121, %dma_start3A_124] : memref<204800x128xf32, #tpu.memory_space<hbm>> -> memref<128x128xf32, #tpu.memory_space<hbm>>
      tpu.enqueue_dma source(%arg11 : memref<128x128xf32, #tpu.memory_space<vmem>>) target(%dma_start3A_125 : memref<128x128xf32, #tpu.memory_space<hbm>>) target_semaphore(%arg17 : memref<!tpu.dma_semaphore, #tpu.memory_space<semaphore_mem>>)
      %dma_start3A_126 = arith.constant 0 : i32
      %dma_start3A_127 = tpu.memref_slice %arg7[%add3A_121, %dma_start3A_126] : memref<204800x128xf32, #tpu.memory_space<hbm>> -> memref<128x128xf32, #tpu.memory_space<hbm>>
      %dma_start3A_128 = arith.constant 0 : i32
      %dma_start3A_129 = tpu.memref_slice %arg7[%add3A_121, %dma_start3A_128] : memref<204800x128xf32, #tpu.memory_space<hbm>> -> memref<128x128xf32, #tpu.memory_space<hbm>>
      tpu.enqueue_dma source(%arg13 : memref<128x128xf32, #tpu.memory_space<vmem>>) target(%dma_start3A_129 : memref<128x128xf32, #tpu.memory_space<hbm>>) target_semaphore(%arg18 : memref<!tpu.dma_semaphore, #tpu.memory_space<semaphore_mem>>)
      %dma_wait3A_130 = arith.constant 0 : i32
      %dma_wait3A_131 = arith.constant 0 : i32
      %dma_wait3A_132 = tpu.memref_slice %arg4[%dma_wait3A_130, %dma_wait3A_131] : memref<100000x128xf32, #tpu.memory_space<hbm>> -> memref<128x128xf32, #tpu.memory_space<hbm>>
      %dma_wait3A_133 = arith.constant 0 : i32
      %dma_wait3A_134 = arith.constant 0 : i32
      %dma_wait3A_135 = tpu.memref_slice %arg4[%dma_wait3A_133, %dma_wait3A_134] : memref<100000x128xf32, #tpu.memory_space<hbm>> -> memref<128x128xf32, #tpu.memory_space<hbm>>
      tpu.wait_dma2 semaphore(%arg19 : memref<!tpu.dma_semaphore, #tpu.memory_space<semaphore_mem>>) src(%dma_wait3A_135 : memref<128x128xf32, #tpu.memory_space<hbm>>) dst(%arg12 : memref<128x128xf32, #tpu.memory_space<vmem>>)
      %dma_wait3A_136 = arith.constant 0 : i32
      %dma_wait3A_137 = arith.constant 0 : i32
      %dma_wait3A_138 = tpu.memref_slice %arg4[%dma_wait3A_136, %dma_wait3A_137] : memref<100000x128xf32, #tpu.memory_space<hbm>> -> memref<128x128xf32, #tpu.memory_space<hbm>>
      %dma_wait3A_139 = arith.constant 0 : i32
      %dma_wait3A_140 = arith.constant 0 : i32
      %dma_wait3A_141 = tpu.memref_slice %arg4[%dma_wait3A_139, %dma_wait3A_140] : memref<100000x128xf32, #tpu.memory_space<hbm>> -> memref<128x128xf32, #tpu.memory_space<hbm>>
      tpu.wait_dma2 semaphore(%arg20 : memref<!tpu.dma_semaphore, #tpu.memory_space<semaphore_mem>>) src(%dma_wait3A_141 : memref<128x128xf32, #tpu.memory_space<hbm>>) dst(%arg14 : memref<128x128xf32, #tpu.memory_space<vmem>>)
      %add3A_142 = arith.constant 1 : i32
      %add3A_143 = arith.addi %mul3A_106, %add3A_142 : i32
      %mul3A_144 = arith.constant 128 : i32
      %mul3A_145 = arith.muli %add3A_143, %mul3A_144 : i32
      %add3A_146 = arith.addi %mul3A_2, %mul3A_145 : i32
      %dma_start3A_147 = arith.constant 0 : i32
      %dma_start3A_148 = tpu.memref_slice %arg6[%add3A_146, %dma_start3A_147] : memref<204800x128xf32, #tpu.memory_space<hbm>> -> memref<128x128xf32, #tpu.memory_space<hbm>>
      %dma_start3A_149 = arith.constant 0 : i32
      %dma_start3A_150 = tpu.memref_slice %arg6[%add3A_146, %dma_start3A_149] : memref<204800x128xf32, #tpu.memory_space<hbm>> -> memref<128x128xf32, #tpu.memory_space<hbm>>
      tpu.enqueue_dma source(%arg12 : memref<128x128xf32, #tpu.memory_space<vmem>>) target(%dma_start3A_150 : memref<128x128xf32, #tpu.memory_space<hbm>>) target_semaphore(%arg21 : memref<!tpu.dma_semaphore, #tpu.memory_space<semaphore_mem>>)
      %dma_start3A_151 = arith.constant 0 : i32
      %dma_start3A_152 = tpu.memref_slice %arg7[%add3A_146, %dma_start3A_151] : memref<204800x128xf32, #tpu.memory_space<hbm>> -> memref<128x128xf32, #tpu.memory_space<hbm>>
      %dma_start3A_153 = arith.constant 0 : i32
      %dma_start3A_154 = tpu.memref_slice %arg7[%add3A_146, %dma_start3A_153] : memref<204800x128xf32, #tpu.memory_space<hbm>> -> memref<128x128xf32, #tpu.memory_space<hbm>>
      tpu.enqueue_dma source(%arg14 : memref<128x128xf32, #tpu.memory_space<vmem>>) target(%dma_start3A_154 : memref<128x128xf32, #tpu.memory_space<hbm>>) target_semaphore(%arg22 : memref<!tpu.dma_semaphore, #tpu.memory_space<semaphore_mem>>)
      %dma_wait3A_155 = arith.constant 0 : i32
      %dma_wait3A_156 = arith.constant 0 : i32
      %dma_wait3A_157 = tpu.memref_slice %arg6[%dma_wait3A_155, %dma_wait3A_156] : memref<204800x128xf32, #tpu.memory_space<hbm>> -> memref<128x128xf32, #tpu.memory_space<hbm>>
      %dma_wait3A_158 = arith.constant 0 : i32
      %dma_wait3A_159 = arith.constant 0 : i32
      %dma_wait3A_160 = tpu.memref_slice %arg6[%dma_wait3A_158, %dma_wait3A_159] : memref<204800x128xf32, #tpu.memory_space<hbm>> -> memref<128x128xf32, #tpu.memory_space<hbm>>
      tpu.wait_dma2 semaphore(%arg17 : memref<!tpu.dma_semaphore, #tpu.memory_space<semaphore_mem>>) src(%arg11 : memref<128x128xf32, #tpu.memory_space<vmem>>) dst(%dma_wait3A_160 : memref<128x128xf32, #tpu.memory_space<hbm>>)
      %dma_wait3A_161 = arith.constant 0 : i32
      %dma_wait3A_162 = arith.constant 0 : i32
      %dma_wait3A_163 = tpu.memref_slice %arg7[%dma_wait3A_161, %dma_wait3A_162] : memref<204800x128xf32, #tpu.memory_space<hbm>> -> memref<128x128xf32, #tpu.memory_space<hbm>>
      %dma_wait3A_164 = arith.constant 0 : i32
      %dma_wait3A_165 = arith.constant 0 : i32
      %dma_wait3A_166 = tpu.memref_slice %arg7[%dma_wait3A_164, %dma_wait3A_165] : memref<204800x128xf32, #tpu.memory_space<hbm>> -> memref<128x128xf32, #tpu.memory_space<hbm>>
      tpu.wait_dma2 semaphore(%arg18 : memref<!tpu.dma_semaphore, #tpu.memory_space<semaphore_mem>>) src(%arg13 : memref<128x128xf32, #tpu.memory_space<vmem>>) dst(%dma_wait3A_166 : memref<128x128xf32, #tpu.memory_space<hbm>>)
      %add3A_167 = arith.constant 2 : i32
      %add3A_168 = arith.addi %mul3A_106, %add3A_167 : i32
      %mul3A_169 = arith.constant 128 : i32
      %mul3A_170 = arith.muli %add3A_168, %mul3A_169 : i32
      %dma_start3A_171 = tpu.memref_slice %arg8[%mul3A_170] : memref<6416xi32, #tpu.memory_space<vmem>> -> memref<128xi32, #tpu.memory_space<vmem>>
      %dma_start3A_172 = arith.constant 0 : i32
      %dma_start3A_173 = arith.constant 0 : i32
      %dma_start3A_174 = tpu.memref_slice %arg4[%dma_start3A_172, %dma_start3A_173] : memref<100000x128xf32, #tpu.memory_space<hbm>> -> memref<100000x128xf32, #tpu.memory_space<hbm>>
      tpu.enqueue_indirect_dma source(%dma_start3A_174 : memref<100000x128xf32, #tpu.memory_space<hbm>>) target(%arg11 : memref<128x128xf32, #tpu.memory_space<vmem>>) offsets(%dma_start3A_171 : memref<128xi32, #tpu.memory_space<vmem>>) semaphore(%arg15 : memref<!tpu.dma_semaphore, #tpu.memory_space<semaphore_mem>>)
      %dma_start3A_175 = tpu.memref_slice %arg10[%mul3A_170] : memref<6416xi32, #tpu.memory_space<vmem>> -> memref<128xi32, #tpu.memory_space<vmem>>
      %dma_start3A_176 = arith.constant 0 : i32
      %dma_start3A_177 = arith.constant 0 : i32
      %dma_start3A_178 = tpu.memref_slice %arg5[%dma_start3A_176, %dma_start3A_177] : memref<208x128xf32, #tpu.memory_space<hbm>> -> memref<208x128xf32, #tpu.memory_space<hbm>>
      tpu.enqueue_indirect_dma source(%dma_start3A_178 : memref<208x128xf32, #tpu.memory_space<hbm>>) target(%arg13 : memref<128x128xf32, #tpu.memory_space<vmem>>) offsets(%dma_start3A_175 : memref<128xi32, #tpu.memory_space<vmem>>) semaphore(%arg16 : memref<!tpu.dma_semaphore, #tpu.memory_space<semaphore_mem>>)
      %dma_wait3A_179 = arith.constant 0 : i32
      %dma_wait3A_180 = arith.constant 0 : i32
      %dma_wait3A_181 = tpu.memref_slice %arg6[%dma_wait3A_179, %dma_wait3A_180] : memref<204800x128xf32, #tpu.memory_space<hbm>> -> memref<128x128xf32, #tpu.memory_space<hbm>>
      %dma_wait3A_182 = arith.constant 0 : i32
      %dma_wait3A_183 = arith.constant 0 : i32
      %dma_wait3A_184 = tpu.memref_slice %arg6[%dma_wait3A_182, %dma_wait3A_183] : memref<204800x128xf32, #tpu.memory_space<hbm>> -> memref<128x128xf32, #tpu.memory_space<hbm>>
      tpu.wait_dma2 semaphore(%arg21 : memref<!tpu.dma_semaphore, #tpu.memory_space<semaphore_mem>>) src(%arg12 : memref<128x128xf32, #tpu.memory_space<vmem>>) dst(%dma_wait3A_184 : memref<128x128xf32, #tpu.memory_space<hbm>>)
      %dma_wait3A_185 = arith.constant 0 : i32
      %dma_wait3A_186 = arith.constant 0 : i32
      %dma_wait3A_187 = tpu.memref_slice %arg7[%dma_wait3A_185, %dma_wait3A_186] : memref<204800x128xf32, #tpu.memory_space<hbm>> -> memref<128x128xf32, #tpu.memory_space<hbm>>
      %dma_wait3A_188 = arith.constant 0 : i32
      %dma_wait3A_189 = arith.constant 0 : i32
      %dma_wait3A_190 = tpu.memref_slice %arg7[%dma_wait3A_188, %dma_wait3A_189] : memref<204800x128xf32, #tpu.memory_space<hbm>> -> memref<128x128xf32, #tpu.memory_space<hbm>>
      tpu.wait_dma2 semaphore(%arg22 : memref<!tpu.dma_semaphore, #tpu.memory_space<semaphore_mem>>) src(%arg14 : memref<128x128xf32, #tpu.memory_space<vmem>>) dst(%dma_wait3A_190 : memref<128x128xf32, #tpu.memory_space<hbm>>)
      %add3A_191 = arith.constant 3 : i32
      %add3A_192 = arith.addi %mul3A_106, %add3A_191 : i32
      %mul3A_193 = arith.constant 128 : i32
      %mul3A_194 = arith.muli %add3A_192, %mul3A_193 : i32
      %dma_start3A_195 = tpu.memref_slice %arg8[%mul3A_194] : memref<6416xi32, #tpu.memory_space<vmem>> -> memref<128xi32, #tpu.memory_space<vmem>>
      %dma_start3A_196 = arith.constant 0 : i32
      %dma_start3A_197 = arith.constant 0 : i32
      %dma_start3A_198 = tpu.memref_slice %arg4[%dma_start3A_196, %dma_start3A_197] : memref<100000x128xf32, #tpu.memory_space<hbm>> -> memref<100000x128xf32, #tpu.memory_space<hbm>>
      tpu.enqueue_indirect_dma source(%dma_start3A_198 : memref<100000x128xf32, #tpu.memory_space<hbm>>) target(%arg12 : memref<128x128xf32, #tpu.memory_space<vmem>>) offsets(%dma_start3A_195 : memref<128xi32, #tpu.memory_space<vmem>>) semaphore(%arg19 : memref<!tpu.dma_semaphore, #tpu.memory_space<semaphore_mem>>)
      %dma_start3A_199 = tpu.memref_slice %arg10[%mul3A_194] : memref<6416xi32, #tpu.memory_space<vmem>> -> memref<128xi32, #tpu.memory_space<vmem>>
      %dma_start3A_200 = arith.constant 0 : i32
      %dma_start3A_201 = arith.constant 0 : i32
      %dma_start3A_202 = tpu.memref_slice %arg5[%dma_start3A_200, %dma_start3A_201] : memref<208x128xf32, #tpu.memory_space<hbm>> -> memref<208x128xf32, #tpu.memory_space<hbm>>
      tpu.enqueue_indirect_dma source(%dma_start3A_202 : memref<208x128xf32, #tpu.memory_space<hbm>>) target(%arg14 : memref<128x128xf32, #tpu.memory_space<vmem>>) offsets(%dma_start3A_199 : memref<128xi32, #tpu.memory_space<vmem>>) semaphore(%arg20 : memref<!tpu.dma_semaphore, #tpu.memory_space<semaphore_mem>>)
    }
    %scan3A_32 = arith.constant 24 : i32
    %dma_wait3A = arith.constant 0 : i32
    %dma_wait3A_33 = arith.constant 0 : i32
    %dma_wait3A_34 = tpu.memref_slice %arg4[%dma_wait3A, %dma_wait3A_33] : memref<100000x128xf32, #tpu.memory_space<hbm>> -> memref<128x128xf32, #tpu.memory_space<hbm>>
    %dma_wait3A_35 = arith.constant 0 : i32
    %dma_wait3A_36 = arith.constant 0 : i32
    %dma_wait3A_37 = tpu.memref_slice %arg4[%dma_wait3A_35, %dma_wait3A_36] : memref<100000x128xf32, #tpu.memory_space<hbm>> -> memref<128x128xf32, #tpu.memory_space<hbm>>
    tpu.wait_dma2 semaphore(%arg15 : memref<!tpu.dma_semaphore, #tpu.memory_space<semaphore_mem>>) src(%dma_wait3A_37 : memref<128x128xf32, #tpu.memory_space<hbm>>) dst(%arg11 : memref<128x128xf32, #tpu.memory_space<vmem>>)
    %dma_wait3A_38 = arith.constant 0 : i32
    %dma_wait3A_39 = arith.constant 0 : i32
    %dma_wait3A_40 = tpu.memref_slice %arg4[%dma_wait3A_38, %dma_wait3A_39] : memref<100000x128xf32, #tpu.memory_space<hbm>> -> memref<128x128xf32, #tpu.memory_space<hbm>>
    %dma_wait3A_41 = arith.constant 0 : i32
    %dma_wait3A_42 = arith.constant 0 : i32
    %dma_wait3A_43 = tpu.memref_slice %arg4[%dma_wait3A_41, %dma_wait3A_42] : memref<100000x128xf32, #tpu.memory_space<hbm>> -> memref<128x128xf32, #tpu.memory_space<hbm>>
    tpu.wait_dma2 semaphore(%arg16 : memref<!tpu.dma_semaphore, #tpu.memory_space<semaphore_mem>>) src(%dma_wait3A_43 : memref<128x128xf32, #tpu.memory_space<hbm>>) dst(%arg13 : memref<128x128xf32, #tpu.memory_space<vmem>>)
    %add3A_44 = arith.constant 6144 : i32
    %add3A_45 = arith.addi %mul3A_2, %add3A_44 : i32
    %dma_start3A_46 = arith.constant 0 : i32
    %dma_start3A_47 = tpu.memref_slice %arg6[%add3A_45, %dma_start3A_46] : memref<204800x128xf32, #tpu.memory_space<hbm>> -> memref<128x128xf32, #tpu.memory_space<hbm>>
    %dma_start3A_48 = arith.constant 0 : i32
    %dma_start3A_49 = tpu.memref_slice %arg6[%add3A_45, %dma_start3A_48] : memref<204800x128xf32, #tpu.memory_space<hbm>> -> memref<128x128xf32, #tpu.memory_space<hbm>>
    tpu.enqueue_dma source(%arg11 : memref<128x128xf32, #tpu.memory_space<vmem>>) target(%dma_start3A_49 : memref<128x128xf32, #tpu.memory_space<hbm>>) target_semaphore(%arg17 : memref<!tpu.dma_semaphore, #tpu.memory_space<semaphore_mem>>)
    %dma_start3A_50 = arith.constant 0 : i32
    %dma_start3A_51 = tpu.memref_slice %arg7[%add3A_45, %dma_start3A_50] : memref<204800x128xf32, #tpu.memory_space<hbm>> -> memref<128x128xf32, #tpu.memory_space<hbm>>
    %dma_start3A_52 = arith.constant 0 : i32
    %dma_start3A_53 = tpu.memref_slice %arg7[%add3A_45, %dma_start3A_52] : memref<204800x128xf32, #tpu.memory_space<hbm>> -> memref<128x128xf32, #tpu.memory_space<hbm>>
    tpu.enqueue_dma source(%arg13 : memref<128x128xf32, #tpu.memory_space<vmem>>) target(%dma_start3A_53 : memref<128x128xf32, #tpu.memory_space<hbm>>) target_semaphore(%arg18 : memref<!tpu.dma_semaphore, #tpu.memory_space<semaphore_mem>>)
    %dma_wait3A_54 = arith.constant 0 : i32
    %dma_wait3A_55 = arith.constant 0 : i32
    %dma_wait3A_56 = tpu.memref_slice %arg4[%dma_wait3A_54, %dma_wait3A_55] : memref<100000x128xf32, #tpu.memory_space<hbm>> -> memref<128x128xf32, #tpu.memory_space<hbm>>
    %dma_wait3A_57 = arith.constant 0 : i32
    %dma_wait3A_58 = arith.constant 0 : i32
    %dma_wait3A_59 = tpu.memref_slice %arg4[%dma_wait3A_57, %dma_wait3A_58] : memref<100000x128xf32, #tpu.memory_space<hbm>> -> memref<128x128xf32, #tpu.memory_space<hbm>>
    tpu.wait_dma2 semaphore(%arg19 : memref<!tpu.dma_semaphore, #tpu.memory_space<semaphore_mem>>) src(%dma_wait3A_59 : memref<128x128xf32, #tpu.memory_space<hbm>>) dst(%arg12 : memref<128x128xf32, #tpu.memory_space<vmem>>)
    %dma_wait3A_60 = arith.constant 0 : i32
    %dma_wait3A_61 = arith.constant 0 : i32
    %dma_wait3A_62 = tpu.memref_slice %arg4[%dma_wait3A_60, %dma_wait3A_61] : memref<100000x128xf32, #tpu.memory_space<hbm>> -> memref<128x128xf32, #tpu.memory_space<hbm>>
    %dma_wait3A_63 = arith.constant 0 : i32
    %dma_wait3A_64 = arith.constant 0 : i32
    %dma_wait3A_65 = tpu.memref_slice %arg4[%dma_wait3A_63, %dma_wait3A_64] : memref<100000x128xf32, #tpu.memory_space<hbm>> -> memref<128x128xf32, #tpu.memory_space<hbm>>
    tpu.wait_dma2 semaphore(%arg20 : memref<!tpu.dma_semaphore, #tpu.memory_space<semaphore_mem>>) src(%dma_wait3A_65 : memref<128x128xf32, #tpu.memory_space<hbm>>) dst(%arg14 : memref<128x128xf32, #tpu.memory_space<vmem>>)
    %add3A_66 = arith.constant 6272 : i32
    %add3A_67 = arith.addi %mul3A_2, %add3A_66 : i32
    %dma_start3A_68 = arith.constant 0 : i32
    %dma_start3A_69 = tpu.memref_slice %arg6[%add3A_67, %dma_start3A_68] : memref<204800x128xf32, #tpu.memory_space<hbm>> -> memref<128x128xf32, #tpu.memory_space<hbm>>
    %dma_start3A_70 = arith.constant 0 : i32
    %dma_start3A_71 = tpu.memref_slice %arg6[%add3A_67, %dma_start3A_70] : memref<204800x128xf32, #tpu.memory_space<hbm>> -> memref<128x128xf32, #tpu.memory_space<hbm>>
    tpu.enqueue_dma source(%arg12 : memref<128x128xf32, #tpu.memory_space<vmem>>) target(%dma_start3A_71 : memref<128x128xf32, #tpu.memory_space<hbm>>) target_semaphore(%arg21 : memref<!tpu.dma_semaphore, #tpu.memory_space<semaphore_mem>>)
    %dma_start3A_72 = arith.constant 0 : i32
    %dma_start3A_73 = tpu.memref_slice %arg7[%add3A_67, %dma_start3A_72] : memref<204800x128xf32, #tpu.memory_space<hbm>> -> memref<128x128xf32, #tpu.memory_space<hbm>>
    %dma_start3A_74 = arith.constant 0 : i32
    %dma_start3A_75 = tpu.memref_slice %arg7[%add3A_67, %dma_start3A_74] : memref<204800x128xf32, #tpu.memory_space<hbm>> -> memref<128x128xf32, #tpu.memory_space<hbm>>
    tpu.enqueue_dma source(%arg14 : memref<128x128xf32, #tpu.memory_space<vmem>>) target(%dma_start3A_75 : memref<128x128xf32, #tpu.memory_space<hbm>>) target_semaphore(%arg22 : memref<!tpu.dma_semaphore, #tpu.memory_space<semaphore_mem>>)
    %dma_wait3A_76 = arith.constant 0 : i32
    %dma_wait3A_77 = arith.constant 0 : i32
    %dma_wait3A_78 = tpu.memref_slice %arg6[%dma_wait3A_76, %dma_wait3A_77] : memref<204800x128xf32, #tpu.memory_space<hbm>> -> memref<128x128xf32, #tpu.memory_space<hbm>>
    %dma_wait3A_79 = arith.constant 0 : i32
    %dma_wait3A_80 = arith.constant 0 : i32
    %dma_wait3A_81 = tpu.memref_slice %arg6[%dma_wait3A_79, %dma_wait3A_80] : memref<204800x128xf32, #tpu.memory_space<hbm>> -> memref<128x128xf32, #tpu.memory_space<hbm>>
    tpu.wait_dma2 semaphore(%arg17 : memref<!tpu.dma_semaphore, #tpu.memory_space<semaphore_mem>>) src(%arg11 : memref<128x128xf32, #tpu.memory_space<vmem>>) dst(%dma_wait3A_81 : memref<128x128xf32, #tpu.memory_space<hbm>>)
    %dma_wait3A_82 = arith.constant 0 : i32
    %dma_wait3A_83 = arith.constant 0 : i32
    %dma_wait3A_84 = tpu.memref_slice %arg7[%dma_wait3A_82, %dma_wait3A_83] : memref<204800x128xf32, #tpu.memory_space<hbm>> -> memref<128x128xf32, #tpu.memory_space<hbm>>
    %dma_wait3A_85 = arith.constant 0 : i32
    %dma_wait3A_86 = arith.constant 0 : i32
    %dma_wait3A_87 = tpu.memref_slice %arg7[%dma_wait3A_85, %dma_wait3A_86] : memref<204800x128xf32, #tpu.memory_space<hbm>> -> memref<128x128xf32, #tpu.memory_space<hbm>>
    tpu.wait_dma2 semaphore(%arg18 : memref<!tpu.dma_semaphore, #tpu.memory_space<semaphore_mem>>) src(%arg13 : memref<128x128xf32, #tpu.memory_space<vmem>>) dst(%dma_wait3A_87 : memref<128x128xf32, #tpu.memory_space<hbm>>)
    %dma_wait3A_88 = arith.constant 0 : i32
    %dma_wait3A_89 = arith.constant 0 : i32
    %dma_wait3A_90 = tpu.memref_slice %arg6[%dma_wait3A_88, %dma_wait3A_89] : memref<204800x128xf32, #tpu.memory_space<hbm>> -> memref<128x128xf32, #tpu.memory_space<hbm>>
    %dma_wait3A_91 = arith.constant 0 : i32
    %dma_wait3A_92 = arith.constant 0 : i32
    %dma_wait3A_93 = tpu.memref_slice %arg6[%dma_wait3A_91, %dma_wait3A_92] : memref<204800x128xf32, #tpu.memory_space<hbm>> -> memref<128x128xf32, #tpu.memory_space<hbm>>
    tpu.wait_dma2 semaphore(%arg21 : memref<!tpu.dma_semaphore, #tpu.memory_space<semaphore_mem>>) src(%arg12 : memref<128x128xf32, #tpu.memory_space<vmem>>) dst(%dma_wait3A_93 : memref<128x128xf32, #tpu.memory_space<hbm>>)
    %dma_wait3A_94 = arith.constant 0 : i32
    %dma_wait3A_95 = arith.constant 0 : i32
    %dma_wait3A_96 = tpu.memref_slice %arg7[%dma_wait3A_94, %dma_wait3A_95] : memref<204800x128xf32, #tpu.memory_space<hbm>> -> memref<128x128xf32, #tpu.memory_space<hbm>>
    %dma_wait3A_97 = arith.constant 0 : i32
    %dma_wait3A_98 = arith.constant 0 : i32
    %dma_wait3A_99 = tpu.memref_slice %arg7[%dma_wait3A_97, %dma_wait3A_98] : memref<204800x128xf32, #tpu.memory_space<hbm>> -> memref<128x128xf32, #tpu.memory_space<hbm>>
    tpu.wait_dma2 semaphore(%arg22 : memref<!tpu.dma_semaphore, #tpu.memory_space<semaphore_mem>>) src(%arg14 : memref<128x128xf32, #tpu.memory_space<vmem>>) dst(%dma_wait3A_99 : memref<128x128xf32, #tpu.memory_space<hbm>>)
    return
  }
}

module attributes {stable_mosaic.version = 14 : i64} {
  func.func @_table_body(%arg0: memref<200x128xf32, #tpu.memory_space<vmem>>, %arg1: memref<1x128xf32, #tpu.memory_space<vmem>>, %arg2: memref<208x128xf32, #tpu.memory_space<vmem>>) attributes {dimension_semantics = [], scalar_prefetch = 0 : i64, scratch_operands = 0 : i64, tpu.core_type = #tpu.core_type<tc>} {
    %get3A = arith.constant 0 : index
    %get3A_0 = arith.constant 0 : index
    %get3A_1 = vector.load %arg0[%get3A, %get3A_0] : memref<200x128xf32, #tpu.memory_space<vmem>>, vector<200x128xf32>
    %get3A_2 = arith.constant 0 : index
    %get3A_3 = arith.constant 0 : index
    %get3A_4 = vector.load %arg1[%get3A_2, %get3A_3] : memref<1x128xf32, #tpu.memory_space<vmem>>, vector<1x128xf32>
    %broadcast_in_dim3A = arith.constant 0.000000e+00 : f32
    %broadcast_in_dim3A_5 = vector.broadcast %broadcast_in_dim3A : f32 to vector<1x128xf32>
    %broadcast_in_dim3A_6 = vector.shape_cast %broadcast_in_dim3A_5 : vector<1x128xf32> to vector<1x128xf32>
    %broadcast_in_dim3A_7 = vector.broadcast %broadcast_in_dim3A_6 : vector<1x128xf32> to vector<8x128xf32>
    %concatenate3A = tpu.concatenate %get3A_1, %broadcast_in_dim3A_7 in 0 : vector<200x128xf32>, vector<8x128xf32> -> vector<208x128xf32>
    %add3A = vector.broadcast %get3A_4 : vector<1x128xf32> to vector<208x128xf32>
    %add3A_8 = arith.addf %concatenate3A, %add3A : vector<208x128xf32>
    %swap3A = arith.constant 0 : index
    %swap3A_9 = arith.constant 0 : index
    %swap3A_10 = vector.load %arg2[%swap3A, %swap3A_9] : memref<208x128xf32, #tpu.memory_space<vmem>>, vector<208x128xf32>
    tpu.vector_store %arg2[%swap3A, %swap3A_9], %add3A_8 {strides = array<i32>} : memref<208x128xf32, #tpu.memory_space<vmem>>, vector<208x128xf32>,
    return
  }
}

</mosaic_0001>

<sc_bundles>
// kernel: kernel.4.cloned.1.call-start
scs
__scs_entry_jumppad:
0x0: {  	(pc) =	sbr.rel $0x88, $3  }
0x1: {  	(tag) =	ssettag $0x0;
	lr =	simm.s32 $0x1  }
0x2: {  	[smem:$0x3F9C] =	sst lr;
	_ =	strace $0xD0000000  }
0x3: {  	_ = 	snop  }
0x4: {  	_ = 	snop  }
0x5: {  	_ = 	snop  }
0x6: {  	_ = 	snop  }
0x7: {  	_ = 	snop  }
__scs_overlays_trampoline_lowered:
0x8: {  	[smem:$0x3FAB] =	sst s0  }
0x9: {  	[smem:$0x3FAC] =	sst s1  }
0xa: {  	[smem:$0x3FAD] =	sst s2  }
0xb: {  	[smem:$0x3FAE] =	sst s3  }
0xc: {  	[smem:$0x3FAF] =	sst s4  }
0xd: {  	[smem:$0x3FB0] =	sst s5  }
0xe: {  	[smem:$0x3FB1] =	sst s6  }
0xf: {  	[smem:$0x3FB2] =	sst s7  }
0x10: {  	[smem:$0x3FB3] =	sst s8  }
0x11: {  	[smem:$0x3FB4] =	sst s9;
	s0 =	simm.s32 @!p0 $0x0  }
0x12: {  	s1 =	sld [smem:$0x3F9A];
	s0 =	simm.s32 @p0 $0x1  }
0x13: {  	[smem:$0x3FB5] =	sst s0;
	s0 =	simm.s32 @!p1 $0x0  }
0x14: {  	s2 =	sld [smem:$0x3F99];
	s0 =	simm.s32 @p1 $0x1  }
0x15: {  	[smem:$0x3FB6] =	sst s0;
	s0 =	simm.s32 @!p2 $0x0  }
0x16: {  	s3 =	sld [smem:$0x3FDB];
	s0 =	simm.s32 @p2 $0x1  }
0x17: {  	s4 =	simm.s32 $0x1BF5;
	[smem:$0x3FB8] =	sst s0  }
0x18: {  	s0 =	sld [smem:$0x3F9B];
	_ =	swait.ge [sflag:s4], $0x0  }
0x19: {  	s7 =	sld [smem:$0x3F9C]  }
0x1a: {  	s8 =	sadd.s32 $0xFFFFE003, lr  }
0x1b: {  	s9 =	sadd.s32 $0xFFFFFEF7, lr;
	s5 =	simm.s32 $0xFFFFFFFF;
	p2 =	slt.u32 s8, $0xFFFFF086  }
0x1c: {  	p1 =	slt.u32 s9, $0xF7A;
	s5 =	simm.s32 @!p2 $0x0  }
0x1d: {  	s5 =	simm.s32 @p1 $0x1;
	p0 =	seq.s32 s7, s2  }
0x1e: {  	s7 =	smul.u32 @!p0 $0xF7A, s2;
	p2 =	seq.s32 @!p0 s5, $0x0  }
0x1f: {  	s9 =	smul.u32 $0xF7A, s1;
	s8 =	simm.s32 @!p0 $0x1BF5;
	p2 =	por !p2, p0  }
0x20: {  	[sflag:s8] =	ssyncset.s32 @!p0 $0xFFFFF086;
	s6 =	sadd.s32 @!p0 s3, s7;
	s7 =	simm.s32 @!p0 $0x108  }
0x21: {  	s3 =	sadd.s32 s3, s9;
	s6 =	sadd.s32 @!p0 $0x88, s6;
	s7 =	simm.s32 @p2 $0x1082  }
0x22: {  	[simem:s7], [sflag:s8] =	dma.local @!p0 [hbm:s6], $0xF7A  }
0x23: {  	s9 =	sor.u32 $0xD0000000, s2;
	s6 =	simm.s32 $0x108;
	_ =	swait.ge @!p0 [sflag:s8], $0x0  }
0x24: {  	s3 =	sadd.s32 $0x88, s3;
	s6 =	simm.s32 @!p1 $0x1082;
	[sflag:s4] =	ssyncset.s32 $0xFFFFF086  }
0x25: {  	[simem:s6], [sflag:s4] =	dma.local [hbm:s3], $0xF7A  }
0x26: {  	[smem:$0x3F9C] =	sst s1;
	(tag) =	ssettag s2;
	_ =	strace s9  }
0x27: {  	s1 =	sld [smem:$0x3FAC]  }
0x28: {  	s2 =	sld [smem:$0x3FAD]  }
0x29: {  	s4 =	sld [smem:$0x3FAF]  }
0x2a: {  	p0 =	seq.s32 s5, $0x0;
	s5 =	sld [smem:$0x3FB0]  }
0x2b: {  	s6 =	sld [smem:$0x3FB1]  }
0x2c: {  	s7 =	sld [smem:$0x3FB2]  }
0x2d: {  	s3 =	simm.s32 $0x108;
	s8 =	sld [smem:$0x3FB3]  }
0x2e: {  	s3 =	simm.s32 @!p0 $0x1082;
	s9 =	sld [smem:$0x3FB4]  }
0x2f: {  	lr =	sadd.s32 s0, s3;
	s0 =	sld [smem:$0x3FAB]  }
0x30: {  	s3 =	sld [smem:$0x3FAE]  }
0x31: {  	[smem:$0x3FB7] =	sst s10  }
0x32: {  	s10 =	sld [smem:$0x3FB5];
	_ =	sdelay $0x3  }
0x33: {  	p0 =	seq.s32 s10, $0x1;
	s10 =	sld [smem:$0x3FB7];
	_ =	sdelay $0x3  }
0x34: {  	[smem:$0x3FB7] =	sst s10  }
0x35: {  	s10 =	sld [smem:$0x3FB6];
	_ =	sdelay $0x3  }
0x36: {  	p1 =	seq.s32 s10, $0x1;
	s10 =	sld [smem:$0x3FB7];
	_ =	sdelay $0x3  }
0x37: {  	[smem:$0x3FB7] =	sst s10  }
0x38: {  	s10 =	sld [smem:$0x3FB8]  }
0x39: {  	_ = 	snop;
	(pc) =	sbr.ind lr, $3  }
0x3a: {  	_ = 	snop  }
0x3b: {  	_ = 	snop  }
0x3c: {  	p2 =	seq.s32 s10, $0x1;
	s10 =	sld [smem:$0x3FB7]  }
0x3d: {  	_ =	shalt  }
0x3e: {  	_ =	shalt  }
0x3f: {  	_ =	shalt  }
0x40: {  	_ =	shalt  }
0x41: {  	_ =	shalt  }
0x42: {  	_ =	shalt  }
0x43: {  	_ =	shalt  }
0x44: {  	_ =	shalt  }
0x45: {  	_ =	shalt  }
0x46: {  	_ =	shalt  }
0x47: {  	_ =	shalt  }
0x48: {  	_ =	shalt  }
0x49: {  	_ =	shalt  }
0x4a: {  	_ =	shalt  }
0x4b: {  	_ =	shalt  }
0x4c: {  	_ =	shalt  }
0x4d: {  	_ =	shalt  }
0x4e: {  	_ =	shalt  }
0x4f: {  	_ =	shalt  }
0x50: {  	_ =	shalt  }
0x51: {  	_ =	shalt  }
0x52: {  	_ =	shalt  }
0x53: {  	_ =	shalt  }
0x54: {  	_ =	shalt  }
0x55: {  	_ =	shalt  }
0x56: {  	_ =	shalt  }
0x57: {  	_ =	shalt  }
0x58: {  	_ =	shalt  }
0x59: {  	_ =	shalt  }
0x5a: {  	_ =	shalt  }
0x5b: {  	_ =	shalt  }
0x5c: {  	_ =	shalt  }
0x5d: {  	_ =	shalt  }
0x5e: {  	_ =	shalt  }
0x5f: {  	_ =	shalt  }
0x60: {  	_ =	shalt  }
0x61: {  	_ =	shalt  }
0x62: {  	_ =	shalt  }
0x63: {  	_ =	shalt  }
0x64: {  	_ =	shalt  }
0x65: {  	_ =	shalt  }
0x66: {  	_ =	shalt  }
0x67: {  	_ =	shalt  }
0x68: {  	_ =	shalt  }
0x69: {  	_ =	shalt  }
0x6a: {  	_ =	shalt  }
0x6b: {  	_ =	shalt  }
0x6c: {  	_ =	shalt  }
0x6d: {  	_ =	shalt  }
0x6e: {  	_ =	shalt  }
0x6f: {  	_ =	shalt  }
0x70: {  	_ =	shalt  }
0x71: {  	_ =	shalt  }
0x72: {  	_ =	shalt  }
0x73: {  	_ =	shalt  }
0x74: {  	_ =	shalt  }
0x75: {  	_ =	shalt  }
0x76: {  	_ =	shalt  }
0x77: {  	_ =	shalt  }
0x78: {  	_ =	shalt  }
0x79: {  	_ =	shalt  }
0x7a: {  	_ =	shalt  }
0x7b: {  	_ =	shalt  }
0x7c: {  	_ =	shalt  }
0x7d: {  	_ =	shalt  }
0x7e: {  	_ =	shalt  }
0x7f: {  	_ =	shalt  }
0x80: {  	_ =	shalt  }
0x81: {  	_ =	shalt  }
0x82: {  	_ =	shalt  }
0x83: {  	_ =	shalt  }
0x84: {  	_ =	shalt  }
0x85: {  	_ =	shalt  }
0x86: {  	_ =	shalt  }
0x87: {  	_ =	shalt  }
.Lfunc_end0:
.L_simem_size_0:
called_computation_lowered:
.L_overlay_start_0:
0x88: {  	s2 =	sld [smem:$0x3FD9]  }
0x89: {  	s3 =	sld [smem:$0x3FFE];
	_ =	sdelay $0x1  }
0x8a: {  	s1 =	srdreg.scid  }
0x8b: {  	s0 =	sand.u32 $0x1, s1  }
0x8c: {  	s14 =	sshll.u32 s0, $0xA;
	s2 =	sadd.s32 s3, s2  }
0x8d: {  	s2 =	sadd.s32 s2, s14  }
0x8e: {  	[smem:$0x3FC3] =	sst s2  }
0x8f: {  	_ = 	snop  }
0x90: {  	s2 =	sld [smem:$0x3FD0];
	_ =	sdelay $0x2  }
0x91: {  	s4 =	simm.s32 $0xA;
	s5 =	simm.s32 $0x10;
	s15 =	sld [smem:$0x3FC7]  }
0x92: {  	[smem:s5], [sflag:s4] =	dma.local [hbm:s2], $0x1  }
0x93: {  	_ =	swait.eq [sflag:s4], $0x1  }
0x94: {  	s16 =	sld [smem:$0x10];
	[sflag:s4] =	ssyncset.done $0x0  }
0x95: {  	s17 =	sld [smem:$0x11];
	[sflag:s4] =	ssyncadd.s32 $0xFFFFFFFF  }
0x96: {  	s18 =	sld [smem:$0x12];
	(tm) =	ssettm $0x1  }
0x97: {  	s6 =	sld [smem:$0x3FFB];
	_ =	sdelay $0x3  }
0x98: {  	_ =	strace s6  }
0x99: {  	s6 =	sld [smem:$0x3FFC];
	_ =	sdelay $0x3  }
0x9a: {  	_ =	strace s6  }
0x9b: {  	s6 =	sld [smem:$0x3FFD];
	_ =	sdelay $0x3  }
0x9c: {  	_ =	strace s6  }
0x9d: {  	_ =	strace $0x8FFFFFFF  }
0x9e: {  	s19 =	sld [smem:$0x3FDB];
	_ =	sdelay $0x1  }
0x9f: {  	s7 =	simm.s32 $_scs_section_size  }
0xa0: {  	s8 =	simm.s32 $_size__tile_overlayer_lowered;
	s9 =	simm.s32 $_tile_overlayer_lowered  }
0xa1: {  	s22 =	simm.s32 $0x1BFF;
	s21 =	sshll.u32 s9, $0x1;
	s6 =	sadd.s32 s7, s19  }
0xa2: {  	s10 =	simm.s32 $0x0;
	s20 =	sshll.u32 s8, $0x1;
	s8 =	sadd.s32 s21, s6  }
0xa3: {  	[timem:s10], [sflag:s22] =	dma.local [hbm:s8], s20  }
0xa4: {  	_ =	swait.ge [sflag:s22], s20  }
0xa5: {  	s7 =	ssub.s32 $0x0, s20;
	[sflag:s22] =	ssyncset.done $0x0  }
0xa6: {  	[sflag:s22] =	ssyncadd.s32 s7;
	_ =	sdelay $0x1  }
0xa7: {  	s23 =	simm.s32 $0x1B8B  }
0xa8: {  	_ =	swait.ge [sflag:s23], $0x1  }
0xa9: {  	[sflag:s23] =	ssyncset.done $0x0  }
0xaa: {  	s25 =	simm.s32 $0x1B8E;
	s24 =	sld [smem:$0x3FFE];
	[sflag:s23] =	ssyncadd.s32 $0xFFFFFFFF  }
0xab: {  	s26 =	simm.s32 $execute0_lowered;
	[smem:$0x3FD2] =	sst s25  }
0xac: {  	s8 =	sshll.u32 s26, $0x1;
	_ =	strace $0x80000046;
	[dreg:$0x1] =	wrdreg $0xFFFFFFFF  }
0xad: {  	s28 =	simm.s32 $_size_execute0_lowered;
	s6 =	sadd.s32 s6, s8;
	[dreg:$0x0] =	wrdreg $0x0  }
0xae: {  	s8 =	sshll.u32 s28, $0x1;
	[dreg:$0x2] =	wrdreg s6  }
0xaf: {  	[dreg:$0x3] =	wrdreg s8  }
0xb0: {  	[dreg:$0x4] =	wrdreg $0xC0  }
0xb1: {  	_ =	task [dreg:s10], $0x5FFFF  }
0xb2: {  	[dreg:$0x1] =	wrdreg $0xFFFFFFFF  }
0xb3: {  	[dreg:$0x0] =	wrdreg $0x60  }
0xb4: {  	[dreg:$0x2] =	wrdreg s18  }
0xb5: {  	[dreg:$0x3] =	wrdreg s24  }
0xb6: {  	[dreg:$0x4] =	wrdreg s15  }
0xb7: {  	[dreg:$0x5] =	wrdreg s16  }
0xb8: {  	[dreg:$0x6] =	wrdreg s17  }
0xb9: {  	[dreg:$0x7] =	wrdreg $0x9  }
0xba: {  	_ =	task.clear_ibuf [dreg:s10], $0x8FFFF;
	_ =	strace $0x90000046  }
0xbb: {  	s29 =	simm.s32 $0x9;
	_ =	strace $0x80000048  }
0xbc: {  	_ =	swait.ge [sflag:s29], $0x1  }
0xbd: {  	[sflag:s29] =	ssyncadd.s32 $0xFFFFFFFF  }
0xbe: {  	_ =	strace $0x90000048  }
0xbf: {  	_ =	sfence  }
0xc0: {  	s30 =	sld [smem:$0x0];
	_ =	sdelay $0x2  }
0xc1: {  	s31 =	sshll.u32 s1, $0xD;
	s1 =	sshrl.u32 s1, $0x2  }
0xc2: {  	s3 =	sand.u32 $0x4000, s31;
	s1 =	sadd.s32 s1, s30  }
0xc3: {  	s0 =	sor.u32 s3, s0;
	s1 =	sshll.u32 s1, $0x11  }
0xc4: {  	s0 =	sor.u32 s1, s0  }
0xc5: {  	s0 =	sadd.s32 $0x8F2B, s0  }
0xc6: {  	[sflag:s0] =	ssyncadd.remote.s32 $0x1  }
0xc7: {  	_ =	sfence.sel $0xFFFF  }
0xc8: {  	[dreg:$0x0] =	wrdreg $0xFFFFFFFF;
	(pc) =	sbr.abs _section_cstart, $3  }
0xc9: {  	[dreg:$0x1] =	wrdreg $0xFFFFFFFF  }
0xca: {  	_ =	task.clear_ibuf [dreg:s10], $0x2FFFF;
	_ =	strace $0x9FFFFFFF  }
0xcb: {  	(tm) =	ssettm $0x7FFFFFFF  }
tec
execute0_lowered:
.L_overlay_start_1:
0x0: {  	(tag) =	ssettag $0x1  }
0x1: {  	s0 =	rddreg [dreg:$0x0]  }
0x2: {  	s2 =	rddreg [dreg:$0x1]  }
0x3: {  	s1 =	rddreg [dreg:$0x2]  }
0x4: {  	s3 =	srdreg.scid;
	s5 =	rddreg [dreg:$0x3]  }
0x5: {  	s15 =	stileid.u32;
	s13 =	rddreg [dreg:$0x4]  }
0x6: {  	s28 =	simm.s32 $0x6;
	s29 =	simm.s32 $0x3;
	s11 =	smul.u32 $0x190000, s15  }
0x7: {  	s30 =	simm.s32 $0x4;
	s12 =	sand.u32 $0x1, s3;
	s23 =	smul.u32 $0x32000, s15  }
0x8: {  	s31 =	simm.s32 $0x7;
	s16 =	sshll.u32 s15, $0x1;
	s14 =	smul.u32 $0xC8000, s12  }
0x9: {  	s3 =	simm.s32 $0x0;
	s4 =	sor.u32 s12, s16;
	s24 =	smul.u32 $0x19000, s12  }
0xa: {  	[smem:$0x7FF] =	sst s3;
	s7 =	ssub.s32 $0x2, s12;
	s6 =	smul.u32 $0x1900, s4  }
0xb: {  	_ =	strace $0x80000047;
	s9 =	sshrl.u32 s7, $0x1;
	s10 =	smul.u32 $0xC8000, s4  }
0xc: {  	s4 =	sadd.s32 $0x7200, s2;
	s15 =	sadd.s32 s23, s5;
	s17 =	ssub.s32 s7, s9  }
0xd: {  	s22 =	sadd.s32 s14, s11;
	s26 =	sadd.s32 s24, s15;
	s15 =	simm.s32 $0x9  }
0xe: {  	s6 =	sshrl.u32 s6, $0x3;
	s19 =	sshrl.u32 s10, $0x3;
	s11 =	smax.u32 s17, $0x1  }
0xf: {  	s17 =	simm.s32 $0x80;
	s8 =	sadd.s32 s6, s2;
	s0 =	sadd.s32 s0, s6  }
0x10: {  	s20 =	sadd.s32 $0x18000, s19;
	[dreg:$0x7] =	wrdreg s0;
	s18 =	sadd.s32 $0xE00, s8  }
0x11: {  	s0 =	sadd.s32 $0x18800, s19;
	s21 =	sadd.s32 s5, s20;
	[dreg:$0x8] =	wrdreg s18  }
0x12: {  	s8 =	sadd.s32 s13, s20;
	s20 =	simm.s32 $0xCC80;
	[dreg:$0x9] =	wrdreg s21  }
0x13: {  	s9 =	sadd.s32 s5, s0;
	s10 =	sadd.s32 s13, s0;
	s0 =	sshrl.u32 s22, $0x3  }
0x14: {  	s18 =	simm.s32 $0x4C80;
	s21 =	simm.s32 $0x8C80;
	s25 =	sadd.s32 s0, s13  }
0x15: {  	s13 =	sadd.s32 s23, s13;
	s12 =	sadd.s32 s0, s5;
	s23 =	simm.s32 $0x10C80  }
0x16: {  	s0 =	simm.s32 $0x0;
	[dreg:$0x6] =	wrdreg s25;
	s2 =	sadd.s32 s24, s13  }
0x17: {  	s13 =	sadd.s32 $0x800, s26;
	s24 =	simm.s32 $0x1;
	s25 =	simm.s32 $0x2  }
0x18: {  	v0 =	vimm.s32 $0x0;
	vm0 =	vmmov $0xff;
	s26 =	simm.s32 $0x5;
	s14 =	sadd.s32 $0x800, s2;
	s2 =	simm.s32 $0x8  }
.LBB2_1:
0x19: {  	s5 =	rddreg [dreg:$0x7]  }
0x1a: {  	[tilespmem:s3], [sflag:$0x9] =	stream.linear.gather [hbm4b:s5+s3], $0x1900, $0x38;
	[tilespmem:$0x14C80] =	vst v63  }
0x1b: {  	_ =	swait.ge [sflag:s15], $0x1900  }
0x1c: {  	[sflag:s15] =	ssyncset.done $0x0  }
0x1d: {  	s6 =	simm.s32 $0x1980;
	s19 =	rddreg [dreg:$0x8];
	[sflag:s15] =	ssyncadd.s32 $0xFFFFE700  }
0x1e: {  	[tilespmem:s6], [sflag:$0x9] =	stream.linear.gather [hbm4b:s19+s3], $0x1900, $0x38;
	[tilespmem:$0x14C80] =	vst v63  }
0x1f: {  	_ =	swait.ge [sflag:s15], $0x1900  }
0x20: {  	[sflag:s15] =	ssyncset.done $0x0  }
0x21: {  	s16 =	simm.s32 $0x19E0;
	[sflag:s15] =	ssyncadd.s32 $0xFFFFE700  }
0x22: {  	v1 =	vld [tilespmem:s16+$0xFFFFFFA0];
	_ =	sdelay $0x4  }
0x23: {  	vm1 =	veq.s32 v1, $0x0  }
0x24: {  	v1 =	vsel vm1, $0x1, v0  }
0x25: {  	(xrf0) =	vadd.scan.msk.s32 $0xffff, v1;
	_ =	sdelay $0x5  }
0x26: {  	v1, _, _ =	vpop (xrf0)  }
0x27: {  	v2 =	vadd.s32 $0xFFFFFFFF, v1;
	(v2sf) =	vpush v1, $0xF  }
0x28: {  	s19 =	simm.s32 $0x3360;
	v1 =	vnsel vm1, $0xC8, v2  }
0x29: {  	[tilespmem:s19+$0xFFFFFFA0] =	vst v1  }
0x2a: {  	v1 =	vld [tilespmem:s16+$0xFFFFFFB0];
	_ =	sdelay $0x4  }
0x2b: {  	vm1 =	veq.s32 v1, $0x0  }
0x2c: {  	v1 =	vsel vm1, $0x1, v0  }
0x2d: {  	(xrf0) =	vadd.scan.msk.s32 $0xffff, v1;
	_ =	sdelay $0x4  }
0x2e: {  	s22 =	spop (v2sf)  }
0x2f: {  	s5 =	sadd.s32 $0xFFFFFFFF, s22;
	v1, _, _ =	vpop (xrf0)  }
0x30: {  	v2 =	vadd.s32 s5, v1;
	(v2sf) =	vpush v1, $0xF  }
0x31: {  	v1 =	vnsel vm1, $0xC8, v2  }
0x32: {  	[tilespmem:s19+$0xFFFFFFB0] =	vst v1  }
0x33: {  	v1 =	vld [tilespmem:s16+$0xFFFFFFC0];
	_ =	sdelay $0x4  }
0x34: {  	vm1 =	veq.s32 v1, $0x0  }
0x35: {  	v1 =	vsel vm1, $0x1, v0  }
0x36: {  	(xrf0) =	vadd.scan.msk.s32 $0xffff, v1;
	_ =	sdelay $0x4  }
0x37: {  	s22 =	spop (v2sf)  }
0x38: {  	s5 =	sadd.s32 s5, s22;
	v1, _, _ =	vpop (xrf0)  }
0x39: {  	v2 =	vadd.s32 s5, v1;
	(v2sf) =	vpush v1, $0xF  }
0x3a: {  	v1 =	vnsel vm1, $0xC8, v2  }
0x3b: {  	[tilespmem:s19+$0xFFFFFFC0] =	vst v1  }
0x3c: {  	v1 =	vld [tilespmem:s16+$0xFFFFFFD0];
	_ =	sdelay $0x4  }
0x3d: {  	vm1 =	veq.s32 v1, $0x0  }
0x3e: {  	v1 =	vsel vm1, $0x1, v0  }
0x3f: {  	(xrf0) =	vadd.scan.msk.s32 $0xffff, v1;
	_ =	sdelay $0x4  }
0x40: {  	s6 =	spop (v2sf)  }
0x41: {  	s5 =	sadd.s32 s5, s6;
	v1, _, _ =	vpop (xrf0)  }
0x42: {  	v2 =	vadd.s32 s5, v1;
	(v2sf) =	vpush v1, $0xF  }
0x43: {  	v1 =	vnsel vm1, $0xC8, v2  }
0x44: {  	[tilespmem:s19+$0xFFFFFFD0] =	vst v1  }
0x45: {  	v1 =	vld [tilespmem:s16+$0xFFFFFFE0];
	_ =	sdelay $0x4  }
0x46: {  	vm1 =	veq.s32 v1, $0x0  }
0x47: {  	v1 =	vsel vm1, $0x1, v0  }
0x48: {  	(xrf0) =	vadd.scan.msk.s32 $0xffff, v1;
	_ =	sdelay $0x4  }
0x49: {  	s7 =	spop (v2sf)  }
0x4a: {  	s5 =	sadd.s32 s5, s7;
	v1, _, _ =	vpop (xrf0)  }
0x4b: {  	v2 =	vadd.s32 s5, v1;
	(v2sf) =	vpush v1, $0xF  }
0x4c: {  	v1 =	vnsel vm1, $0xC8, v2  }
0x4d: {  	[tilespmem:s19+$0xFFFFFFE0] =	vst v1  }
0x4e: {  	v1 =	vld [tilespmem:s16+$0xFFFFFFF0];
	_ =	sdelay $0x4  }
0x4f: {  	vm1 =	veq.s32 v1, $0x0  }
0x50: {  	v1 =	vsel vm1, $0x1, v0  }
0x51: {  	(xrf0) =	vadd.scan.msk.s32 $0xffff, v1;
	_ =	sdelay $0x4  }
0x52: {  	s6 =	spop (v2sf)  }
0x53: {  	s5 =	sadd.s32 s5, s6;
	v1, _, _ =	vpop (xrf0)  }
0x54: {  	v2 =	vadd.s32 s5, v1;
	(v2sf) =	vpush v1, $0xF  }
0x55: {  	v1 =	vnsel vm1, $0xC8, v2  }
0x56: {  	[tilespmem:s19+$0xFFFFFFF0] =	vst v1  }
0x57: {  	v1 =	vld [tilespmem:s16+$0x0];
	_ =	sdelay $0x4  }
0x58: {  	vm1 =	veq.s32 v1, $0x0  }
0x59: {  	v1 =	vsel vm1, $0x1, v0  }
0x5a: {  	(xrf0) =	vadd.scan.msk.s32 $0xffff, v1;
	_ =	sdelay $0x4  }
0x5b: {  	s7 =	spop (v2sf)  }
0x5c: {  	s5 =	sadd.s32 s5, s7;
	v1, _, _ =	vpop (xrf0)  }
0x5d: {  	v2 =	vadd.s32 s5, v1;
	(v2sf) =	vpush v1, $0xF  }
0x5e: {  	v1 =	vnsel vm1, $0xC8, v2  }
0x5f: {  	[tilespmem:s19+$0x0] =	vst v1  }
0x60: {  	v1 =	vld [tilespmem:s16+$0x10];
	_ =	sdelay $0x4  }
0x61: {  	vm1 =	veq.s32 v1, $0x0  }
0x62: {  	v1 =	vsel vm1, $0x1, v0  }
0x63: {  	(xrf0) =	vadd.scan.msk.s32 $0xffff, v1;
	_ =	sdelay $0x4  }
0x64: {  	s6 =	spop (v2sf)  }
0x65: {  	s5 =	sadd.s32 s5, s6;
	v1, _, _ =	vpop (xrf0)  }
0x66: {  	v2 =	vadd.s32 s5, v1;
	(v2sf) =	vpush v1, $0xF  }
0x67: {  	v1 =	vnsel vm1, $0xC8, v2  }
0x68: {  	s22 =	sand.u32 $0x1FF8, s3;
	[tilespmem:s19+$0x10] =	vst v1  }
0x69: {  	v1 =	vld [tilespmem:s22+$0x1A00];
	_ =	sdelay $0x4  }
0x6a: {  	vm1 =	veq.s32 v1, $0x0  }
0x6b: {  	v1 =	vsel vm1, $0x1, v0  }
0x6c: {  	(xrf0) =	vadd.scan.msk.s32 $0xffff, v1;
	_ =	sdelay $0x4  }
0x6d: {  	s7 =	spop (v2sf)  }
0x6e: {  	s5 =	sadd.s32 s5, s7;
	v1, _, _ =	vpop (xrf0)  }
0x6f: {  	v2 =	vadd.s32 s5, v1;
	(v2sf) =	vpush v1, $0xF  }
0x70: {  	v1 =	vnsel vm1, $0xC8, v2  }
0x71: {  	[tilespmem:s22+$0x3380] =	vst v1  }
0x72: {  	v1 =	vld [tilespmem:s16+$0x30];
	_ =	sdelay $0x4  }
0x73: {  	vm1 =	veq.s32 v1, $0x0  }
0x74: {  	v1 =	vsel vm1, $0x1, v0  }
0x75: {  	(xrf0) =	vadd.scan.msk.s32 $0xffff, v1;
	_ =	sdelay $0x4  }
0x76: {  	s7 =	spop (v2sf)  }
0x77: {  	s5 =	sadd.s32 s5, s7;
	v1, _, _ =	vpop (xrf0)  }
0x78: {  	v2 =	vadd.s32 s5, v1;
	(v2sf) =	vpush v1, $0xF  }
0x79: {  	v1 =	vnsel vm1, $0xC8, v2  }
0x7a: {  	[tilespmem:s19+$0x30] =	vst v1  }
0x7b: {  	v1 =	vld [tilespmem:s16+$0x40];
	_ =	sdelay $0x4  }
0x7c: {  	vm1 =	veq.s32 v1, $0x0  }
0x7d: {  	v1 =	vsel vm1, $0x1, v0  }
0x7e: {  	(xrf0) =	vadd.scan.msk.s32 $0xffff, v1;
	_ =	sdelay $0x4  }
0x7f: {  	s22 =	spop (v2sf)  }
0x80: {  	s5 =	sadd.s32 s5, s22;
	v1, _, _ =	vpop (xrf0)  }
0x81: {  	v2 =	vadd.s32 s5, v1;
	(v2sf) =	vpush v1, $0xF  }
0x82: {  	v1 =	vnsel vm1, $0xC8, v2  }
0x83: {  	[tilespmem:s19+$0x40] =	vst v1  }
0x84: {  	v1 =	vld [tilespmem:s16+$0x50];
	_ =	sdelay $0x4  }
0x85: {  	vm1 =	veq.s32 v1, $0x0  }
0x86: {  	v1 =	vsel vm1, $0x1, v0  }
0x87: {  	(xrf0) =	vadd.scan.msk.s32 $0xffff, v1;
	_ =	sdelay $0x4  }
0x88: {  	s7 =	spop (v2sf)  }
0x89: {  	s5 =	sadd.s32 s5, s7;
	v1, _, _ =	vpop (xrf0)  }
0x8a: {  	v2 =	vadd.s32 s5, v1  }
0x8b: {  	(v2sf) =	vpush v1, $0xF;
	v1 =	vnsel vm1, $0xC8, v2  }
0x8c: {  	[tilespmem:s19+$0x50] =	vst v1  }
0x8d: {  	v1 =	vld [tilespmem:s16+$0x60];
	_ =	sdelay $0x4  }
0x8e: {  	vm1 =	veq.s32 v1, $0x0  }
0x8f: {  	vm2 =	vmand vm1, vm0  }
0x90: {  	v1 =	vsel vm2, $0x1, v0  }
0x91: {  	(xrf0) =	vadd.scan.msk.s32 $0xffff, v1;
	_ =	sdelay $0x4  }
0x92: {  	s22 =	spop (v2sf)  }
0x93: {  	s5 =	sadd.s32 s5, s22;
	v1, _, _ =	vpop (xrf0)  }
0x94: {  	v1 =	vadd.s32 s5, v1  }
0x95: {  	s22 =	simm.s32 $0xC8;
	v1 =	vnsel vm1, $0xC8, v1  }
.LBB2_2:
0x96: {  	p0 =	sne.s32 s22, $0x1838;
	[tilespmem:s19+$0x60] =	vst v1;
	s16 =	sadd.s32 $0xC8, s16;
	s19 =	sadd.s32 $0xC8, s19  }
0x97: {  	s5 =	smov.u32 s22;
	s22 =	sadd.s32 $0xC8, s22;
	v1 =	vld [tilespmem:s16+$0xFFFFFFA0];
	_ =	sdelay $0x4  }
0x98: {  	vm1 =	veq.s32 v1, $0x0  }
0x99: {  	v1 =	vsel vm1, $0x1, v0  }
0x9a: {  	(xrf0) =	vadd.scan.msk.s32 $0xffff, v1;
	_ =	sdelay $0x5  }
0x9b: {  	v1, _, _ =	vpop (xrf0)  }
0x9c: {  	v2 =	vadd.s32 $0xFFFFFFFF, v1;
	(v2sf) =	vpush v1, $0xF  }
0x9d: {  	v1 =	vnsel vm1, $0xC8, v2  }
0x9e: {  	[tilespmem:s19+$0xFFFFFFA0] =	vst v1  }
0x9f: {  	v1 =	vld [tilespmem:s16+$0xFFFFFFB0];
	_ =	sdelay $0x4  }
0xa0: {  	vm1 =	veq.s32 v1, $0x0  }
0xa1: {  	v1 =	vsel vm1, $0x1, v0  }
0xa2: {  	(xrf0) =	vadd.scan.msk.s32 $0xffff, v1;
	_ =	sdelay $0x4  }
0xa3: {  	s6 =	spop (v2sf)  }
0xa4: {  	s6 =	sadd.s32 $0xFFFFFFFF, s6;
	v1, _, _ =	vpop (xrf0)  }
0xa5: {  	v2 =	vadd.s32 s6, v1;
	(v2sf) =	vpush v1, $0xF  }
0xa6: {  	v1 =	vnsel vm1, $0xC8, v2  }
0xa7: {  	[tilespmem:s19+$0xFFFFFFB0] =	vst v1  }
0xa8: {  	v1 =	vld [tilespmem:s16+$0xFFFFFFC0];
	_ =	sdelay $0x4  }
0xa9: {  	vm1 =	veq.s32 v1, $0x0  }
0xaa: {  	v1 =	vsel vm1, $0x1, v0  }
0xab: {  	(xrf0) =	vadd.scan.msk.s32 $0xffff, v1;
	_ =	sdelay $0x4  }
0xac: {  	s7 =	spop (v2sf)  }
0xad: {  	s6 =	sadd.s32 s6, s7;
	v1, _, _ =	vpop (xrf0)  }
0xae: {  	v2 =	vadd.s32 s6, v1;
	(v2sf) =	vpush v1, $0xF  }
0xaf: {  	v1 =	vnsel vm1, $0xC8, v2  }
0xb0: {  	[tilespmem:s19+$0xFFFFFFC0] =	vst v1  }
0xb1: {  	v1 =	vld [tilespmem:s16+$0xFFFFFFD0];
	_ =	sdelay $0x4  }
0xb2: {  	vm1 =	veq.s32 v1, $0x0  }
0xb3: {  	v1 =	vsel vm1, $0x1, v0  }
0xb4: {  	(xrf0) =	vadd.scan.msk.s32 $0xffff, v1;
	_ =	sdelay $0x4  }
0xb5: {  	s7 =	spop (v2sf)  }
0xb6: {  	s6 =	sadd.s32 s6, s7;
	v1, _, _ =	vpop (xrf0)  }
0xb7: {  	v2 =	vadd.s32 s6, v1;
	(v2sf) =	vpush v1, $0xF  }
0xb8: {  	v1 =	vnsel vm1, $0xC8, v2  }
0xb9: {  	[tilespmem:s19+$0xFFFFFFD0] =	vst v1  }
0xba: {  	v1 =	vld [tilespmem:s16+$0xFFFFFFE0];
	_ =	sdelay $0x4  }
0xbb: {  	vm1 =	veq.s32 v1, $0x0  }
0xbc: {  	v1 =	vsel vm1, $0x1, v0  }
0xbd: {  	(xrf0) =	vadd.scan.msk.s32 $0xffff, v1;
	_ =	sdelay $0x4  }
0xbe: {  	s7 =	spop (v2sf)  }
0xbf: {  	s6 =	sadd.s32 s6, s7;
	v1, _, _ =	vpop (xrf0)  }
0xc0: {  	v2 =	vadd.s32 s6, v1;
	(v2sf) =	vpush v1, $0xF  }
0xc1: {  	v1 =	vnsel vm1, $0xC8, v2  }
0xc2: {  	[tilespmem:s19+$0xFFFFFFE0] =	vst v1  }
0xc3: {  	v1 =	vld [tilespmem:s16+$0xFFFFFFF0];
	_ =	sdelay $0x4  }
0xc4: {  	vm1 =	veq.s32 v1, $0x0  }
0xc5: {  	v1 =	vsel vm1, $0x1, v0  }
0xc6: {  	(xrf0) =	vadd.scan.msk.s32 $0xffff, v1;
	_ =	sdelay $0x4  }
0xc7: {  	s7 =	spop (v2sf)  }
0xc8: {  	s6 =	sadd.s32 s6, s7;
	v1, _, _ =	vpop (xrf0)  }
0xc9: {  	v2 =	vadd.s32 s6, v1;
	(v2sf) =	vpush v1, $0xF  }
0xca: {  	v1 =	vnsel vm1, $0xC8, v2  }
0xcb: {  	[tilespmem:s19+$0xFFFFFFF0] =	vst v1  }
0xcc: {  	v1 =	vld [tilespmem:s16+$0x0];
	_ =	sdelay $0x4  }
0xcd: {  	vm1 =	veq.s32 v1, $0x0  }
0xce: {  	v1 =	vsel vm1, $0x1, v0  }
0xcf: {  	(xrf0) =	vadd.scan.msk.s32 $0xffff, v1;
	_ =	sdelay $0x4  }
0xd0: {  	s7 =	spop (v2sf)  }
0xd1: {  	s6 =	sadd.s32 s6, s7;
	v1, _, _ =	vpop (xrf0)  }
0xd2: {  	v2 =	vadd.s32 s6, v1;
	(v2sf) =	vpush v1, $0xF  }
0xd3: {  	v1 =	vnsel vm1, $0xC8, v2  }
0xd4: {  	[tilespmem:s19+$0x0] =	vst v1  }
0xd5: {  	v1 =	vld [tilespmem:s16+$0x10];
	_ =	sdelay $0x4  }
0xd6: {  	vm1 =	veq.s32 v1, $0x0  }
0xd7: {  	v1 =	vsel vm1, $0x1, v0  }
0xd8: {  	(xrf0) =	vadd.scan.msk.s32 $0xffff, v1;
	_ =	sdelay $0x4  }
0xd9: {  	s7 =	spop (v2sf)  }
0xda: {  	s6 =	sadd.s32 s6, s7;
	v1, _, _ =	vpop (xrf0)  }
0xdb: {  	v2 =	vadd.s32 s6, v1;
	(v2sf) =	vpush v1, $0xF  }
0xdc: {  	v1 =	vnsel vm1, $0xC8, v2  }
0xdd: {  	s5 =	sand.u32 $0x1FF8, s5;
	[tilespmem:s19+$0x10] =	vst v1  }
0xde: {  	v1 =	vld [tilespmem:s5+$0x1A00];
	_ =	sdelay $0x4  }
0xdf: {  	vm1 =	veq.s32 v1, $0x0  }
0xe0: {  	v1 =	vsel vm1, $0x1, v0  }
0xe1: {  	(xrf0) =	vadd.scan.msk.s32 $0xffff, v1;
	_ =	sdelay $0x4  }
0xe2: {  	s7 =	spop (v2sf)  }
0xe3: {  	s6 =	sadd.s32 s6, s7;
	v1, _, _ =	vpop (xrf0)  }
0xe4: {  	v2 =	vadd.s32 s6, v1;
	(v2sf) =	vpush v1, $0xF  }
0xe5: {  	v1 =	vnsel vm1, $0xC8, v2  }
0xe6: {  	[tilespmem:s5+$0x3380] =	vst v1  }
0xe7: {  	v1 =	vld [tilespmem:s16+$0x30];
	_ =	sdelay $0x4  }
0xe8: {  	vm1 =	veq.s32 v1, $0x0  }
0xe9: {  	v1 =	vsel vm1, $0x1, v0  }
0xea: {  	(xrf0) =	vadd.scan.msk.s32 $0xffff, v1;
	_ =	sdelay $0x4  }
0xeb: {  	s5 =	spop (v2sf)  }
0xec: {  	s5 =	sadd.s32 s6, s5;
	v1, _, _ =	vpop (xrf0)  }
0xed: {  	v2 =	vadd.s32 s5, v1;
	(v2sf) =	vpush v1, $0xF  }
0xee: {  	v1 =	vnsel vm1, $0xC8, v2  }
0xef: {  	[tilespmem:s19+$0x30] =	vst v1  }
0xf0: {  	v1 =	vld [tilespmem:s16+$0x40];
	_ =	sdelay $0x4  }
0xf1: {  	vm1 =	veq.s32 v1, $0x0  }
0xf2: {  	v1 =	vsel vm1, $0x1, v0  }
0xf3: {  	(xrf0) =	vadd.scan.msk.s32 $0xffff, v1;
	_ =	sdelay $0x4  }
0xf4: {  	s6 =	spop (v2sf)  }
0xf5: {  	s5 =	sadd.s32 s5, s6;
	v1, _, _ =	vpop (xrf0)  }
0xf6: {  	v2 =	vadd.s32 s5, v1;
	(v2sf) =	vpush v1, $0xF  }
0xf7: {  	v1 =	vnsel vm1, $0xC8, v2  }
0xf8: {  	[tilespmem:s19+$0x40] =	vst v1  }
0xf9: {  	v1 =	vld [tilespmem:s16+$0x50];
	_ =	sdelay $0x4  }
0xfa: {  	vm1 =	veq.s32 v1, $0x0  }
0xfb: {  	v1 =	vsel vm1, $0x1, v0  }
0xfc: {  	(xrf0) =	vadd.scan.msk.s32 $0xffff, v1;
	_ =	sdelay $0x4  }
0xfd: {  	s6 =	spop (v2sf)  }
0xfe: {  	s5 =	sadd.s32 s5, s6;
	v1, _, _ =	vpop (xrf0)  }
0xff: {  	v2 =	vadd.s32 s5, v1;
	(v2sf) =	vpush v1, $0xF  }
0x100: {  	v1 =	vnsel vm1, $0xC8, v2  }
0x101: {  	[tilespmem:s19+$0x50] =	vst v1  }
0x102: {  	v1 =	vld [tilespmem:s16+$0x60];
	_ =	sdelay $0x4  }
0x103: {  	vm1 =	veq.s32 v1, $0x0  }
0x104: {  	vm2 =	vmand vm1, vm0  }
0x105: {  	v1 =	vsel vm2, $0x1, v0  }
0x106: {  	(xrf0) =	vadd.scan.msk.s32 $0xffff, v1;
	_ =	sdelay $0x3  }
.Ltmp0:
0x107: {  	s6 =	spop (v2sf);
	(pc) =	sbr.rel @p0 .LBB2_2-.Ltmp0, $4  }
0x108: {  	s5 =	sadd.s32 s5, s6  }
0x109: {  	v1, _, _ =	vpop (xrf0)  }
0x10a: {  	v1 =	vadd.s32 s5, v1  }
0x10b: {  	v1 =	vnsel vm1, $0xC8, v1  }
0x10c: {  	[tilespmem:s19+$0x60] =	vst v1;
	s5 =	simm.s32 $0x0  }
0x10d: {  	[tilespmem:s18], [sflag:$0x1] =	stream.indirect.gather [hbm4b:s1+s17], $0x80, s5, s17, $0xb8;
	[tilespmem:$0x14C80] =	vst v63  }
0x10e: {  	s16 =	simm.s32 $0x3300  }
0x10f: {  	[tilespmem:s20], [sflag:$0x2] =	stream.indirect.gather [hbm4b:s4+s17], $0x80, s16, s17, $0xb8;
	[tilespmem:$0x14C80] =	vst v63  }
0x110: {  	_ = 	snop  }
0x111: {  	[tilespmem:s21], [sflag:$0x5] =	stream.indirect.gather [hbm4b:s1+s17], $0x80, s17, s17, $0xb8;
	[tilespmem:$0x14C80] =	vst v63  }
0x112: {  	s19 =	simm.s32 $0x3380  }
0x113: {  	[tilespmem:s23], [sflag:$0x6] =	stream.indirect.gather [hbm4b:s4+s17], $0x80, s19, s17, $0xb8;
	[tilespmem:$0x14C80] =	vst v63  }
0x114: {  	_ =	swait.ge [sflag:s24], $0x4000  }
0x115: {  	[sflag:s24] =	ssyncset.done $0x0  }
0x116: {  	[sflag:s24] =	ssyncadd.s32 $0xFFFFC000  }
0x117: {  	_ =	swait.ge [sflag:s25], $0x4000  }
0x118: {  	[sflag:s25] =	ssyncset.done $0x0  }
0x119: {  	s6 =	sadd.s32 $0x0, s12;
	s22 =	rddreg [dreg:$0x6];
	[sflag:s25] =	ssyncadd.s32 $0xFFFFC000  }
0x11a: {  	[hbm4b:s6+s3] =	stream.linear.scatter [tilespmem:s18], [sflag:$0x3], $0x4000, $0x38;
	[tilespmem:$0x14C80] =	vst v63  }
0x11b: {  	s5 =	sadd.s32 $0x0, s22  }
0x11c: {  	[hbm4b:s5+s3] =	stream.linear.scatter [tilespmem:s20], [sflag:$0x4], $0x4000, $0x38;
	[tilespmem:$0x14C80] =	vst v63  }
0x11d: {  	_ =	swait.ge [sflag:s26], $0x4000  }
0x11e: {  	[sflag:s26] =	ssyncset.done $0x0  }
0x11f: {  	[sflag:s26] =	ssyncadd.s32 $0xFFFFC000  }
0x120: {  	_ =	swait.ge [sflag:s28], $0x4000  }
0x121: {  	[sflag:s28] =	ssyncset.done $0x0  }
0x122: {  	s6 =	sadd.s32 $0x0, s13;
	[sflag:s28] =	ssyncadd.s32 $0xFFFFC000  }
0x123: {  	[hbm4b:s6+s3] =	stream.linear.scatter [tilespmem:s21], [sflag:$0x7], $0x4000, $0x38;
	[tilespmem:$0x14C80] =	vst v63  }
0x124: {  	s7 =	sadd.s32 $0x0, s14  }
0x125: {  	[hbm4b:s7+s3] =	stream.linear.scatter [tilespmem:s23], [sflag:$0x8], $0x4000, $0x38;
	[tilespmem:$0x14C80] =	vst v63  }
0x126: {  	_ =	swait.ge [sflag:s29], $0x4000  }
0x127: {  	[sflag:s29] =	ssyncset.done $0x0  }
0x128: {  	[sflag:s29] =	ssyncadd.s32 $0xFFFFC000  }
0x129: {  	_ =	swait.ge [sflag:s30], $0x4000  }
0x12a: {  	[sflag:s30] =	ssyncset.done $0x0  }
0x12b: {  	s16 =	simm.s32 $0x100;
	[sflag:s30] =	ssyncadd.s32 $0xFFFFC000  }
0x12c: {  	[tilespmem:s18], [sflag:$0x1] =	stream.indirect.gather [hbm4b:s1+s17], $0x80, s16, s17, $0xb8;
	[tilespmem:$0x14C80] =	vst v63  }
0x12d: {  	s19 =	simm.s32 $0x3400  }
0x12e: {  	[tilespmem:s20], [sflag:$0x2] =	stream.indirect.gather [hbm4b:s4+s17], $0x80, s19, s17, $0xb8;
	[tilespmem:$0x14C80] =	vst v63  }
0x12f: {  	_ =	swait.ge [sflag:s31], $0x4000  }
0x130: {  	[sflag:s31] =	ssyncset.done $0x0  }
0x131: {  	[sflag:s31] =	ssyncadd.s32 $0xFFFFC000  }
0x132: {  	_ =	swait.ge [sflag:s2], $0x4000  }
0x133: {  	[sflag:s2] =	ssyncset.done $0x0  }
0x134: {  	s22 =	simm.s32 $0x180;
	s5 =	simm.s32 $0x1000;
	[sflag:s2] =	ssyncadd.s32 $0xFFFFC000  }
0x135: {  	[tilespmem:s21], [sflag:$0x5] =	stream.indirect.gather [hbm4b:s1+s17], $0x80, s22, s17, $0xb8;
	[tilespmem:$0x14C80] =	vst v63  }
0x136: {  	s16 =	simm.s32 $0x200;
	s19 =	simm.s32 $0x3500;
	s22 =	simm.s32 $0x3480  }
.LBB2_4:
0x137: {  	[tilespmem:s23], [sflag:$0x6] =	stream.indirect.gather [hbm4b:s4+s17], $0x80, s22, s17, $0xb8;
	[tilespmem:$0x14C80] =	vst v63  }
0x138: {  	_ =	swait.ge [sflag:s24], $0x4000  }
0x139: {  	[sflag:s24] =	ssyncset.done $0x0  }
0x13a: {  	[sflag:s24] =	ssyncadd.s32 $0xFFFFC000  }
0x13b: {  	_ =	swait.ge [sflag:s25], $0x4000  }
0x13c: {  	s6 =	smov.u32 s5;
	[sflag:s25] =	ssyncset.done $0x0  }
0x13d: {  	s22 =	sadd.s32 s6, s12;
	s7 =	rddreg [dreg:$0x6];
	[sflag:s25] =	ssyncadd.s32 $0xFFFFC000  }
0x13e: {  	[hbm4b:s22+s3] =	stream.linear.scatter [tilespmem:s18], [sflag:$0x3], $0x4000, $0x38;
	[tilespmem:$0x14C80] =	vst v63  }
0x13f: {  	s7 =	sadd.s32 s6, s7  }
0x140: {  	[hbm4b:s7+s3] =	stream.linear.scatter [tilespmem:s20], [sflag:$0x4], $0x4000, $0x38;
	[tilespmem:$0x14C80] =	vst v63  }
0x141: {  	_ =	swait.ge [sflag:s26], $0x4000  }
0x142: {  	[sflag:s26] =	ssyncset.done $0x0  }
0x143: {  	[sflag:s26] =	ssyncadd.s32 $0xFFFFC000  }
0x144: {  	_ =	swait.ge [sflag:s28], $0x4000  }
0x145: {  	[sflag:s28] =	ssyncset.done $0x0  }
0x146: {  	s22 =	sadd.s32 s6, s13;
	[sflag:s28] =	ssyncadd.s32 $0xFFFFC000  }
0x147: {  	[hbm4b:s22+s3] =	stream.linear.scatter [tilespmem:s21], [sflag:$0x7], $0x4000, $0x38;
	[tilespmem:$0x14C80] =	vst v63  }
0x148: {  	s6 =	sadd.s32 s6, s14  }
0x149: {  	[hbm4b:s6+s3] =	stream.linear.scatter [tilespmem:s23], [sflag:$0x8], $0x4000, $0x38;
	[tilespmem:$0x14C80] =	vst v63  }
0x14a: {  	_ =	swait.ge [sflag:s29], $0x4000  }
0x14b: {  	[sflag:s29] =	ssyncset.done $0x0  }
0x14c: {  	[sflag:s29] =	ssyncadd.s32 $0xFFFFC000  }
0x14d: {  	_ =	swait.ge [sflag:s30], $0x4000  }
0x14e: {  	[sflag:s30] =	ssyncset.done $0x0  }
0x14f: {  	[sflag:s30] =	ssyncadd.s32 $0xFFFFC000  }
0x150: {  	[tilespmem:s18], [sflag:$0x1] =	stream.indirect.gather [hbm4b:s1+s17], $0x80, s16, s17, $0xb8;
	[tilespmem:$0x14C80] =	vst v63  }
0x151: {  	_ = 	snop  }
0x152: {  	[tilespmem:s20], [sflag:$0x2] =	stream.indirect.gather [hbm4b:s4+s17], $0x80, s19, s17, $0xb8;
	[tilespmem:$0x14C80] =	vst v63  }
0x153: {  	_ =	swait.ge [sflag:s31], $0x4000  }
0x154: {  	[sflag:s31] =	ssyncset.done $0x0  }
0x155: {  	p0 =	sne.s32 s5, $0x17000;
	[sflag:s31] =	ssyncadd.s32 $0xFFFFC000  }
.Ltmp1:
0x156: {  	_ =	swait.ge [sflag:s2], $0x4000;
	(pc) =	sbr.rel @p0 .LBB2_4-.Ltmp1, $4  }
0x157: {  	[sflag:s2] =	ssyncset.done $0x0  }
0x158: {  	s5 =	sadd.s32 $0x1000, s5;
	s22 =	sadd.s32 $0x80, s16;
	[sflag:s2] =	ssyncadd.s32 $0xFFFFC000  }
0x159: {  	[tilespmem:s21], [sflag:$0x5] =	stream.indirect.gather [hbm4b:s1+s17], $0x80, s22, s17, $0xb8;
	[tilespmem:$0x14C80] =	vst v63  }
0x15a: {  	s16 =	sadd.s32 $0x100, s16;
	s22 =	sadd.s32 $0x80, s19;
	s19 =	sadd.s32 $0x100, s19  }
0x15b: {  	[tilespmem:s23], [sflag:$0x6] =	stream.indirect.gather [hbm4b:s4+s17], $0x80, s22, s17, $0xb8;
	[tilespmem:$0x14C80] =	vst v63  }
0x15c: {  	_ =	swait.ge [sflag:s24], $0x4000  }
0x15d: {  	[sflag:s24] =	ssyncset.done $0x0  }
0x15e: {  	[sflag:s24] =	ssyncadd.s32 $0xFFFFC000  }
0x15f: {  	_ =	swait.ge [sflag:s25], $0x4000  }
0x160: {  	[sflag:s25] =	ssyncset.done $0x0  }
0x161: {  	s5 =	rddreg [dreg:$0x9];
	[sflag:s25] =	ssyncadd.s32 $0xFFFFC000  }
0x162: {  	[hbm4b:s5+s3] =	stream.linear.scatter [tilespmem:s18], [sflag:$0x3], $0x4000, $0x38;
	[tilespmem:$0x14C80] =	vst v63  }
0x163: {  	_ = 	snop  }
0x164: {  	[hbm4b:s8+s3] =	stream.linear.scatter [tilespmem:s20], [sflag:$0x4], $0x4000, $0x38;
	[tilespmem:$0x14C80] =	vst v63  }
0x165: {  	_ =	swait.ge [sflag:s26], $0x4000  }
0x166: {  	[sflag:s26] =	ssyncset.done $0x0  }
0x167: {  	[sflag:s26] =	ssyncadd.s32 $0xFFFFC000  }
0x168: {  	_ =	swait.ge [sflag:s28], $0x4000  }
0x169: {  	[sflag:s28] =	ssyncset.done $0x0  }
0x16a: {  	[sflag:s28] =	ssyncadd.s32 $0xFFFFC000  }
0x16b: {  	[hbm4b:s9+s3] =	stream.linear.scatter [tilespmem:s21], [sflag:$0x7], $0x4000, $0x38;
	[tilespmem:$0x14C80] =	vst v63  }
0x16c: {  	_ = 	snop  }
0x16d: {  	[hbm4b:s10+s3] =	stream.linear.scatter [tilespmem:s23], [sflag:$0x8], $0x4000, $0x38;
	[tilespmem:$0x14C80] =	vst v63  }
0x16e: {  	_ =	swait.ge [sflag:s29], $0x4000  }
0x16f: {  	[sflag:s29] =	ssyncset.done $0x0  }
0x170: {  	[sflag:s29] =	ssyncadd.s32 $0xFFFFC000  }
0x171: {  	_ =	swait.ge [sflag:s30], $0x4000  }
0x172: {  	[sflag:s30] =	ssyncset.done $0x0  }
0x173: {  	s0 =	sadd.s32 $0x1, s0;
	[sflag:s30] =	ssyncadd.s32 $0xFFFFC000  }
0x174: {  	p0 =	sne.s32 s0, s11;
	_ =	swait.ge [sflag:s31], $0x4000  }
.Ltmp2:
0x175: {  	[sflag:s31] =	ssyncset.done $0x0;
	(pc) =	sbr.rel @p0 .LBB2_1-.Ltmp2, $4  }
0x176: {  	[sflag:s31] =	ssyncadd.s32 $0xFFFFC000  }
0x177: {  	_ =	swait.ge [sflag:s2], $0x4000  }
0x178: {  	[sflag:s2] =	ssyncset.done $0x0  }
0x179: {  	[sflag:s2] =	ssyncadd.s32 $0xFFFFC000  }
0x17a: {  	_ =	sfence.sel $0x180000  }
0x17b: {  	[bflag:$0x0] =	sbarrier.arrive $0xFFFF  }
0x17c: {  	_ =	strace $0x90000047  }
0x17d: {  	s0 =	stileid.u32;
	[bflag:$0x2] =	sbarrier.arrive $0xFFFF  }
0x17e: {  	p0 =	sne.s32 s0, $0x0;
	s0 =	rddreg [dreg:$0x5]  }
0x17f: {  	s0 =	sadd.s32 @!p0 $0x100000, s0  }
0x180: {  	[sflag:s0] =	ssyncadd.tile.s32 @!p0 $0x1;
	_ =	shalt  }
.Lfunc_end2:
_tile_overlayer_lowered:
.L_overlay_start_2:
0x181: {  	(tag) =	ssettag $0x2  }
0x182: {  	s0 =	rddreg [dreg:$0x0];
	s2 =	stileid.u32  }
0x183: {  	s1 =	rddreg [dreg:$0x1];
	p0 =	sne.s32 s2, $0x0  }
0x184: {  	s3 =	rddreg [dreg:$0x2];
	[bflag:$0x3] =	sbarrier.arrive $0xFFFF;
	s2 =	simm.s32 @!p0 $0x1C09  }
0x185: {  	[timem:s3], [sflag:s2] =	dma.local @!p0 [hbm:s0], s1  }
0x186: {  	s0 =	simm.s32 @!p0 $0x9  }
0x187: {  	_ =	swait.ge @!p0 [sflag:s0], s1  }
0x188: {  	s1 =	ssub.s32 @!p0 $0x0, s1;
	[sflag:s0] =	ssyncset.done @!p0 $0x0  }
0x189: {  	[sflag:s0] =	ssyncadd.s32 @!p0 s1  }
0x18a: {  	[bflag:$0x3] =	sbarrier.arrive $0xFFFF  }
0x18b: {  	_ =	shalt  }

</sc_bundles>
